<compile_context>
chip_gen: v7x
topology: tpu7x:2x2x1
jax: 0.10.2.dev20260603
libtpu: 0.0.44.dev20260713+nightly
codegen_flags: <defaults>
</compile_context>

<pallas_src>
import functools

import jax
import jax.numpy as jnp
from jax import lax
from jax.experimental import pallas as pl
from jax.experimental.pallas import tpu as pltpu
from jax.experimental.pallas import tpu_sc as plsc

Q = 784
D = 128
K_TOTAL = 100000
KB = 5000
NB = K_TOTAL // KB
PATCHES_PER_IMAGE = 196
NUM_IMAGES = 4
L = 16
NG = Q // L


def _knn_block_kernel(q_ref, k_ref, mrow_ref, arow_ref):
    i = pl.program_id(0)
    kb = k_ref[...]
    q = q_ref[...]
    h = 0.5 * jnp.sum(kb * kb, axis=1, keepdims=True)
    kq = jax.lax.dot_general(
        kb, q,
        dimension_numbers=(((1,), (1,)), ((), ())),
        preferred_element_type=jnp.float32,
    )
    p = h - kq
    mrow_ref[0] = jnp.min(p, axis=0, keepdims=True)
    arow_ref[0] = jnp.argmin(p, axis=0)[None, :] + i * KB


def _merge_kernel(m_hbm, a_hbm, q2_hbm, d2_hbm, idx_hbm, img_hbm,
                  mv_v, av_v, q2_v, d2s_v, ai_v, img_v):
    wid = lax.axis_index("s") * 2 + lax.axis_index("c")

    @pl.when(wid == 0)
    def _():
        pltpu.sync_copy(m_hbm, mv_v)
        pltpu.sync_copy(a_hbm, av_v)
        pltpu.sync_copy(q2_hbm, q2_v)

        def group(g, _):
            off = g * L
            mv = mv_v[pl.ds(off, L)]
            av = av_v[pl.ds(off, L)]
            for j in range(1, NB):
                cur = mv_v[pl.ds(j * Q + off, L)]
                ci = av_v[pl.ds(j * Q + off, L)]
                better = cur < mv
                mv = jnp.where(better, cur, mv)
                av = jnp.where(better, ci, av)
            d2 = q2_v[pl.ds(off, L)] + 2.0 * mv
            d2s_v[pl.ds(off, L)] = jnp.maximum(d2, 1e-12)
            ai_v[pl.ds(off, L)] = av
            return 0

        lax.fori_loop(0, NG, group, 0)
        d2s_v[pl.ds(Q, L)] = jnp.full((L,), -3e38, jnp.float32)

        lanes = lax.iota(jnp.int32, L)
        for im in range(NUM_IMAGES):
            base = im * PATCHES_PER_IMAGE
            pmax = jnp.full((L,), -3e38, jnp.float32)
            for t in range(PATCHES_PER_IMAGE // L):
                pmax = jnp.maximum(pmax, d2s_v[pl.ds(base + t * L, L)])
            tail = d2s_v[pl.ds(base + (PATCHES_PER_IMAGE // L) * L, L)]
            rem = PATCHES_PER_IMAGE % L
            pmax = jnp.maximum(pmax, jnp.where(lanes < rem, tail, -3e38))
            img_v[pl.ds(im * L, L)] = pmax

        pltpu.sync_copy(d2s_v.at[pl.ds(0, Q)], d2_hbm)
        pltpu.sync_copy(ai_v.at[pl.ds(0, Q)], idx_hbm)
        pltpu.sync_copy(img_v, img_hbm)


def _sqrt_kernel(d2_ref, imgd2_ref, patch_ref, img_ref):
    patch_ref[...] = jnp.sqrt(d2_ref[...])
    img_ref[...] = jnp.sqrt(jnp.max(imgd2_ref[...], axis=1, keepdims=True))


@jax.jit
def _run(queries, keys):
    q2 = jnp.sum(queries * queries, axis=1)
    mrow, arow = pl.pallas_call(
        _knn_block_kernel,
        grid=(NB,),
        in_specs=[
            pl.BlockSpec((Q, D), lambda i: (0, 0)),
            pl.BlockSpec((KB, D), lambda i: (i, 0)),
        ],
        out_specs=[
            pl.BlockSpec((1, 1, Q), lambda i: (i, 0, 0)),
            pl.BlockSpec((1, 1, Q), lambda i: (i, 0, 0)),
        ],
        out_shape=[
            jax.ShapeDtypeStruct((NB, 1, Q), jnp.float32),
            jax.ShapeDtypeStruct((NB, 1, Q), jnp.int32),
        ],
        compiler_params=pltpu.CompilerParams(
            dimension_semantics=("arbitrary",),
        ),
    )(queries, keys)

    mesh = plsc.VectorSubcoreMesh(core_axis_name="c", subcore_axis_name="s")
    merge = functools.partial(
        pl.kernel, mesh=mesh,
        out_type=[
            jax.ShapeDtypeStruct((Q,), jnp.float32),
            jax.ShapeDtypeStruct((Q,), jnp.int32),
            jax.ShapeDtypeStruct((NUM_IMAGES * L,), jnp.float32),
        ],
        scratch_types=[
            pltpu.VMEM((NB * Q,), jnp.float32),
            pltpu.VMEM((NB * Q,), jnp.int32),
            pltpu.VMEM((Q,), jnp.float32),
            pltpu.VMEM((Q + L,), jnp.float32),
            pltpu.VMEM((Q,), jnp.int32),
            pltpu.VMEM((NUM_IMAGES * L,), jnp.float32),
        ],
    )(_merge_kernel)
    d2min, idx, imgd2 = merge(mrow.reshape(NB * Q), arow.reshape(NB * Q), q2)

    patch, img = pl.pallas_call(
        _sqrt_kernel,
        out_shape=[
            jax.ShapeDtypeStruct((1, Q), jnp.float32),
            jax.ShapeDtypeStruct((NUM_IMAGES, 1), jnp.float32),
        ],
    )(d2min.reshape(1, Q), imgd2.reshape(NUM_IMAGES, L))
    return patch[0], idx, img[:, 0]


def kernel(queries, keys, batchsize):
    patch, idx, img = _run(queries, keys)
    batch_dep = (0 * jnp.asarray(batchsize)).astype(patch.dtype)
    return img + batch_dep, patch, idx

# --- scband reference (transcript-rebuilt; emitter-appended) ---
"""Pipeline reference for scband-patch-core-28132035788857 (READ-ONLY COPY).

The authoritative reference and input builder live on the scoring server;
editing this copy changes nothing except your own understanding.
"""

import jax, jax.numpy as jnp
import numpy as np


def setup_inputs(seed: int = 0) -> dict:
    key = jax.random.key(seed)
    k1, k2 = jax.random.split(key)
    queries = jax.random.normal(k1, (784, 128), dtype=jnp.float32)
    keys = jax.random.normal(k2, (100000, 128), dtype=jnp.float32)
    return {"queries": queries, "keys": keys, "batchsize": 4}


def reference(queries, keys, batchsize):
    # PatchCore NearestNeighbourScorer with n_nearest_neighbours=1:
    # squared-euclidean distance from each patch embedding to the memory bank,
    # take nearest neighbour distance as the patch anomaly score.
    q2 = jnp.sum(queries * queries, axis=1, keepdims=True)            # [Q, 1]
    k2 = jnp.sum(keys * keys, axis=1)[None, :]                        # [1, K]
    d2 = q2 + k2 - 2.0 * (queries @ keys.T)                           # [Q, K]
    d2 = jnp.maximum(d2, 0.0)
    neg_top, nn_idx = jax.lax.top_k(-d2, 1)                           # nearest neighbour
    nn_d2 = -neg_top[:, 0]                                            # [Q]
    patch_scores = jnp.sqrt(jnp.maximum(nn_d2, 1e-12))                # [Q]
    # PatchMaker.unpatch_scores + PatchMaker.score: reshape to per-image
    # patch grids and max-reduce over all patch dims -> image-level score.
    static_batchsize = 4
    batch_dep = (0 * jnp.asarray(batchsize)).astype(patch_scores.dtype)
    image_scores = jnp.max(patch_scores.reshape(static_batchsize, -1), axis=1) + batch_dep  # [B]
    return image_scores, patch_scores, nn_idx[:, 0]

if __name__ == "__main__":
    import jax
    _d = setup_inputs()
    print(jax.jit(kernel)(*tuple(_d.values())))

</pallas_src>

<mosaic_0001>
#map = affine_map<(d0, d1) -> (0)>
module attributes {stable_mosaic.version = 14 : i64} {
  func.func @_merge_kernel(%arg0: i32, %arg1: i32, %arg2: memref<15680xf32, #tpu.memory_space<hbm>>, %arg3: memref<15680xi32, #tpu.memory_space<hbm>>, %arg4: memref<784xf32, #tpu.memory_space<hbm>>, %arg5: memref<784xf32, #tpu.memory_space<hbm>>, %arg6: memref<784xi32, #tpu.memory_space<hbm>>, %arg7: memref<64xf32, #tpu.memory_space<hbm>>, %arg8: memref<15680xf32, #tpu.memory_space<vmem>>, %arg9: memref<15680xi32, #tpu.memory_space<vmem>>, %arg10: memref<784xf32, #tpu.memory_space<vmem>>, %arg11: memref<800xf32, #tpu.memory_space<vmem>>, %arg12: memref<784xi32, #tpu.memory_space<vmem>>, %arg13: memref<64xf32, #tpu.memory_space<vmem>>) attributes {dimension_semantics = [#tpu.dimension_semantics<core_parallel>, #tpu.dimension_semantics<subcore_parallel>], iteration_bounds = array<i64: 2, 16>, scalar_prefetch = 0 : i64, scratch_operands = 6 : i64, tpu.core_type = #tpu.core_type<sc_vector_subcore>, window_params = [{transform_indices = #map}, {transform_indices = #map}, {transform_indices = #map}, {transform_indices = #map}, {transform_indices = #map}, {transform_indices = #map}]} {
    %mul3A = arith.constant 2 : i32
    %mul3A_0 = arith.muli %arg1, %mul3A : i32
    %add3A = arith.addi %mul3A_0, %arg0 : i32
    %eq3A = arith.constant 0 : i32
    %eq3A_1 = arith.cmpi eq, %add3A, %eq3A : i32
    %convert_element_type3A = arith.extui %eq3A_1 : i1 to i32
    %cond3A = arith.constant 0 : i32
    %cond3A_2 = arith.cmpi ne, %convert_element_type3A, %cond3A : i32
    scf.if %cond3A_2 {
      "tpu.region"() ({
        %run_scoped3A = tpu.sem_alloc : memref<!tpu.dma_semaphore, #tpu.memory_space<semaphore_mem>>
        tpu.enqueue_dma source(%arg2 : memref<15680xf32, #tpu.memory_space<hbm>>) target(%arg8 : memref<15680xf32, #tpu.memory_space<vmem>>) target_semaphore(%run_scoped3A : memref<!tpu.dma_semaphore, #tpu.memory_space<semaphore_mem>>)
        tpu.wait_dma2 semaphore(%run_scoped3A : memref<!tpu.dma_semaphore, #tpu.memory_space<semaphore_mem>>) src(%arg2 : memref<15680xf32, #tpu.memory_space<hbm>>) dst(%arg8 : memref<15680xf32, #tpu.memory_space<vmem>>)
        tpu.yield
      }) : () -> ()
      "tpu.region"() ({
        %run_scoped3A = tpu.sem_alloc : memref<!tpu.dma_semaphore, #tpu.memory_space<semaphore_mem>>
        tpu.enqueue_dma source(%arg3 : memref<15680xi32, #tpu.memory_space<hbm>>) target(%arg9 : memref<15680xi32, #tpu.memory_space<vmem>>) target_semaphore(%run_scoped3A : memref<!tpu.dma_semaphore, #tpu.memory_space<semaphore_mem>>)
        tpu.wait_dma2 semaphore(%run_scoped3A : memref<!tpu.dma_semaphore, #tpu.memory_space<semaphore_mem>>) src(%arg3 : memref<15680xi32, #tpu.memory_space<hbm>>) dst(%arg9 : memref<15680xi32, #tpu.memory_space<vmem>>)
        tpu.yield
      }) : () -> ()
      "tpu.region"() ({
        %run_scoped3A = tpu.sem_alloc : memref<!tpu.dma_semaphore, #tpu.memory_space<semaphore_mem>>
        tpu.enqueue_dma source(%arg4 : memref<784xf32, #tpu.memory_space<hbm>>) target(%arg10 : memref<784xf32, #tpu.memory_space<vmem>>) target_semaphore(%run_scoped3A : memref<!tpu.dma_semaphore, #tpu.memory_space<semaphore_mem>>)
        tpu.wait_dma2 semaphore(%run_scoped3A : memref<!tpu.dma_semaphore, #tpu.memory_space<semaphore_mem>>) src(%arg4 : memref<784xf32, #tpu.memory_space<hbm>>) dst(%arg10 : memref<784xf32, #tpu.memory_space<vmem>>)
        tpu.yield
      }) : () -> ()
      %scan3A = arith.constant 0 : i32
      %scan3A_3 = arith.constant 0 : i32
      %scan3A_4 = arith.constant 49 : i32
      %scan3A_5 = arith.addi %scan3A_3, %scan3A_4 : i32
      %scan3A_6 = arith.constant 1 : i32
      %scan3A_7 = scf.for %scan3A_264 = %scan3A_3 to %scan3A_5 step %scan3A_6 iter_args(%scan3A_265 = %scan3A) -> (i32)  : i32 {
        %mul3A_266 = arith.constant 16 : i32
        %mul3A_267 = arith.muli %scan3A_264, %mul3A_266 : i32
        %get3A_268 = arith.index_cast %mul3A_267 : i32 to index
        %get3A_269 = tpu.vector_load %arg8[%get3A_268] {strides = array<i32>} : memref<15680xf32, #tpu.memory_space<vmem>>, vector<16xf32>,
        %get3A_270 = vector.shape_cast %get3A_269 : vector<16xf32> to vector<16xf32>
        %get3A_271 = arith.index_cast %mul3A_267 : i32 to index
        %get3A_272 = tpu.vector_load %arg9[%get3A_271] {strides = array<i32>} : memref<15680xi32, #tpu.memory_space<vmem>>, vector<16xi32>,
        %get3A_273 = vector.shape_cast %get3A_272 : vector<16xi32> to vector<16xi32>
        %add3A_274 = arith.constant 784 : i32
        %add3A_275 = arith.addi %add3A_274, %mul3A_267 : i32
        %get3A_276 = arith.index_cast %add3A_275 : i32 to index
        %get3A_277 = tpu.vector_load %arg8[%get3A_276] {strides = array<i32>} : memref<15680xf32, #tpu.memory_space<vmem>>, vector<16xf32>,
        %get3A_278 = vector.shape_cast %get3A_277 : vector<16xf32> to vector<16xf32>
        %add3A_279 = arith.constant 784 : i32
        %add3A_280 = arith.addi %add3A_279, %mul3A_267 : i32
        %get3A_281 = arith.index_cast %add3A_280 : i32 to index
        %get3A_282 = tpu.vector_load %arg9[%get3A_281] {strides = array<i32>} : memref<15680xi32, #tpu.memory_space<vmem>>, vector<16xi32>,
        %get3A_283 = vector.shape_cast %get3A_282 : vector<16xi32> to vector<16xi32>
        %lt3A_284 = arith.cmpf olt, %get3A_278, %get3A_270 : vector<16xf32>
        %select_n3A_285 = arith.select %lt3A_284, %get3A_278, %get3A_270 : vector<16xi1>, vector<16xf32>
        %select_n3A_286 = arith.select %lt3A_284, %get3A_283, %get3A_273 : vector<16xi1>, vector<16xi32>
        %add3A_287 = arith.constant 1568 : i32
        %add3A_288 = arith.addi %add3A_287, %mul3A_267 : i32
        %get3A_289 = arith.index_cast %add3A_288 : i32 to index
        %get3A_290 = tpu.vector_load %arg8[%get3A_289] {strides = array<i32>} : memref<15680xf32, #tpu.memory_space<vmem>>, vector<16xf32>,
        %get3A_291 = vector.shape_cast %get3A_290 : vector<16xf32> to vector<16xf32>
        %add3A_292 = arith.constant 1568 : i32
        %add3A_293 = arith.addi %add3A_292, %mul3A_267 : i32
        %get3A_294 = arith.index_cast %add3A_293 : i32 to index
        %get3A_295 = tpu.vector_load %arg9[%get3A_294] {strides = array<i32>} : memref<15680xi32, #tpu.memory_space<vmem>>, vector<16xi32>,
        %get3A_296 = vector.shape_cast %get3A_295 : vector<16xi32> to vector<16xi32>
        %lt3A_297 = arith.cmpf olt, %get3A_291, %select_n3A_285 : vector<16xf32>
        %select_n3A_298 = arith.select %lt3A_297, %get3A_291, %select_n3A_285 : vector<16xi1>, vector<16xf32>
        %select_n3A_299 = arith.select %lt3A_297, %get3A_296, %select_n3A_286 : vector<16xi1>, vector<16xi32>
        %add3A_300 = arith.constant 2352 : i32
        %add3A_301 = arith.addi %add3A_300, %mul3A_267 : i32
        %get3A_302 = arith.index_cast %add3A_301 : i32 to index
        %get3A_303 = tpu.vector_load %arg8[%get3A_302] {strides = array<i32>} : memref<15680xf32, #tpu.memory_space<vmem>>, vector<16xf32>,
        %get3A_304 = vector.shape_cast %get3A_303 : vector<16xf32> to vector<16xf32>
        %add3A_305 = arith.constant 2352 : i32
        %add3A_306 = arith.addi %add3A_305, %mul3A_267 : i32
        %get3A_307 = arith.index_cast %add3A_306 : i32 to index
        %get3A_308 = tpu.vector_load %arg9[%get3A_307] {strides = array<i32>} : memref<15680xi32, #tpu.memory_space<vmem>>, vector<16xi32>,
        %get3A_309 = vector.shape_cast %get3A_308 : vector<16xi32> to vector<16xi32>
        %lt3A_310 = arith.cmpf olt, %get3A_304, %select_n3A_298 : vector<16xf32>
        %select_n3A_311 = arith.select %lt3A_310, %get3A_304, %select_n3A_298 : vector<16xi1>, vector<16xf32>
        %select_n3A_312 = arith.select %lt3A_310, %get3A_309, %select_n3A_299 : vector<16xi1>, vector<16xi32>
        %add3A_313 = arith.constant 3136 : i32
        %add3A_314 = arith.addi %add3A_313, %mul3A_267 : i32
        %get3A_315 = arith.index_cast %add3A_314 : i32 to index
        %get3A_316 = tpu.vector_load %arg8[%get3A_315] {strides = array<i32>} : memref<15680xf32, #tpu.memory_space<vmem>>, vector<16xf32>,
        %get3A_317 = vector.shape_cast %get3A_316 : vector<16xf32> to vector<16xf32>
        %add3A_318 = arith.constant 3136 : i32
        %add3A_319 = arith.addi %add3A_318, %mul3A_267 : i32
        %get3A_320 = arith.index_cast %add3A_319 : i32 to index
        %get3A_321 = tpu.vector_load %arg9[%get3A_320] {strides = array<i32>} : memref<15680xi32, #tpu.memory_space<vmem>>, vector<16xi32>,
        %get3A_322 = vector.shape_cast %get3A_321 : vector<16xi32> to vector<16xi32>
        %lt3A_323 = arith.cmpf olt, %get3A_317, %select_n3A_311 : vector<16xf32>
        %select_n3A_324 = arith.select %lt3A_323, %get3A_317, %select_n3A_311 : vector<16xi1>, vector<16xf32>
        %select_n3A_325 = arith.select %lt3A_323, %get3A_322, %select_n3A_312 : vector<16xi1>, vector<16xi32>
        %add3A_326 = arith.constant 3920 : i32
        %add3A_327 = arith.addi %add3A_326, %mul3A_267 : i32
        %get3A_328 = arith.index_cast %add3A_327 : i32 to index
        %get3A_329 = tpu.vector_load %arg8[%get3A_328] {strides = array<i32>} : memref<15680xf32, #tpu.memory_space<vmem>>, vector<16xf32>,
        %get3A_330 = vector.shape_cast %get3A_329 : vector<16xf32> to vector<16xf32>
        %add3A_331 = arith.constant 3920 : i32
        %add3A_332 = arith.addi %add3A_331, %mul3A_267 : i32
        %get3A_333 = arith.index_cast %add3A_332 : i32 to index
        %get3A_334 = tpu.vector_load %arg9[%get3A_333] {strides = array<i32>} : memref<15680xi32, #tpu.memory_space<vmem>>, vector<16xi32>,
        %get3A_335 = vector.shape_cast %get3A_334 : vector<16xi32> to vector<16xi32>
        %lt3A_336 = arith.cmpf olt, %get3A_330, %select_n3A_324 : vector<16xf32>
        %select_n3A_337 = arith.select %lt3A_336, %get3A_330, %select_n3A_324 : vector<16xi1>, vector<16xf32>
        %select_n3A_338 = arith.select %lt3A_336, %get3A_335, %select_n3A_325 : vector<16xi1>, vector<16xi32>
        %add3A_339 = arith.constant 4704 : i32
        %add3A_340 = arith.addi %add3A_339, %mul3A_267 : i32
        %get3A_341 = arith.index_cast %add3A_340 : i32 to index
        %get3A_342 = tpu.vector_load %arg8[%get3A_341] {strides = array<i32>} : memref<15680xf32, #tpu.memory_space<vmem>>, vector<16xf32>,
        %get3A_343 = vector.shape_cast %get3A_342 : vector<16xf32> to vector<16xf32>
        %add3A_344 = arith.constant 4704 : i32
        %add3A_345 = arith.addi %add3A_344, %mul3A_267 : i32
        %get3A_346 = arith.index_cast %add3A_345 : i32 to index
        %get3A_347 = tpu.vector_load %arg9[%get3A_346] {strides = array<i32>} : memref<15680xi32, #tpu.memory_space<vmem>>, vector<16xi32>,
        %get3A_348 = vector.shape_cast %get3A_347 : vector<16xi32> to vector<16xi32>
        %lt3A_349 = arith.cmpf olt, %get3A_343, %select_n3A_337 : vector<16xf32>
        %select_n3A_350 = arith.select %lt3A_349, %get3A_343, %select_n3A_337 : vector<16xi1>, vector<16xf32>
        %select_n3A_351 = arith.select %lt3A_349, %get3A_348, %select_n3A_338 : vector<16xi1>, vector<16xi32>
        %add3A_352 = arith.constant 5488 : i32
        %add3A_353 = arith.addi %add3A_352, %mul3A_267 : i32
        %get3A_354 = arith.index_cast %add3A_353 : i32 to index
        %get3A_355 = tpu.vector_load %arg8[%get3A_354] {strides = array<i32>} : memref<15680xf32, #tpu.memory_space<vmem>>, vector<16xf32>,
        %get3A_356 = vector.shape_cast %get3A_355 : vector<16xf32> to vector<16xf32>
        %add3A_357 = arith.constant 5488 : i32
        %add3A_358 = arith.addi %add3A_357, %mul3A_267 : i32
        %get3A_359 = arith.index_cast %add3A_358 : i32 to index
        %get3A_360 = tpu.vector_load %arg9[%get3A_359] {strides = array<i32>} : memref<15680xi32, #tpu.memory_space<vmem>>, vector<16xi32>,
        %get3A_361 = vector.shape_cast %get3A_360 : vector<16xi32> to vector<16xi32>
        %lt3A_362 = arith.cmpf olt, %get3A_356, %select_n3A_350 : vector<16xf32>
        %select_n3A_363 = arith.select %lt3A_362, %get3A_356, %select_n3A_350 : vector<16xi1>, vector<16xf32>
        %select_n3A_364 = arith.select %lt3A_362, %get3A_361, %select_n3A_351 : vector<16xi1>, vector<16xi32>
        %add3A_365 = arith.constant 6272 : i32
        %add3A_366 = arith.addi %add3A_365, %mul3A_267 : i32
        %get3A_367 = arith.index_cast %add3A_366 : i32 to index
        %get3A_368 = tpu.vector_load %arg8[%get3A_367] {strides = array<i32>} : memref<15680xf32, #tpu.memory_space<vmem>>, vector<16xf32>,
        %get3A_369 = vector.shape_cast %get3A_368 : vector<16xf32> to vector<16xf32>
        %add3A_370 = arith.constant 6272 : i32
        %add3A_371 = arith.addi %add3A_370, %mul3A_267 : i32
        %get3A_372 = arith.index_cast %add3A_371 : i32 to index
        %get3A_373 = tpu.vector_load %arg9[%get3A_372] {strides = array<i32>} : memref<15680xi32, #tpu.memory_space<vmem>>, vector<16xi32>,
        %get3A_374 = vector.shape_cast %get3A_373 : vector<16xi32> to vector<16xi32>
        %lt3A_375 = arith.cmpf olt, %get3A_369, %select_n3A_363 : vector<16xf32>
        %select_n3A_376 = arith.select %lt3A_375, %get3A_369, %select_n3A_363 : vector<16xi1>, vector<16xf32>
        %select_n3A_377 = arith.select %lt3A_375, %get3A_374, %select_n3A_364 : vector<16xi1>, vector<16xi32>
        %add3A_378 = arith.constant 7056 : i32
        %add3A_379 = arith.addi %add3A_378, %mul3A_267 : i32
        %get3A_380 = arith.index_cast %add3A_379 : i32 to index
        %get3A_381 = tpu.vector_load %arg8[%get3A_380] {strides = array<i32>} : memref<15680xf32, #tpu.memory_space<vmem>>, vector<16xf32>,
        %get3A_382 = vector.shape_cast %get3A_381 : vector<16xf32> to vector<16xf32>
        %add3A_383 = arith.constant 7056 : i32
        %add3A_384 = arith.addi %add3A_383, %mul3A_267 : i32
        %get3A_385 = arith.index_cast %add3A_384 : i32 to index
        %get3A_386 = tpu.vector_load %arg9[%get3A_385] {strides = array<i32>} : memref<15680xi32, #tpu.memory_space<vmem>>, vector<16xi32>,
        %get3A_387 = vector.shape_cast %get3A_386 : vector<16xi32> to vector<16xi32>
        %lt3A_388 = arith.cmpf olt, %get3A_382, %select_n3A_376 : vector<16xf32>
        %select_n3A_389 = arith.select %lt3A_388, %get3A_382, %select_n3A_376 : vector<16xi1>, vector<16xf32>
        %select_n3A_390 = arith.select %lt3A_388, %get3A_387, %select_n3A_377 : vector<16xi1>, vector<16xi32>
        %add3A_391 = arith.constant 7840 : i32
        %add3A_392 = arith.addi %add3A_391, %mul3A_267 : i32
        %get3A_393 = arith.index_cast %add3A_392 : i32 to index
        %get3A_394 = tpu.vector_load %arg8[%get3A_393] {strides = array<i32>} : memref<15680xf32, #tpu.memory_space<vmem>>, vector<16xf32>,
        %get3A_395 = vector.shape_cast %get3A_394 : vector<16xf32> to vector<16xf32>
        %add3A_396 = arith.constant 7840 : i32
        %add3A_397 = arith.addi %add3A_396, %mul3A_267 : i32
        %get3A_398 = arith.index_cast %add3A_397 : i32 to index
        %get3A_399 = tpu.vector_load %arg9[%get3A_398] {strides = array<i32>} : memref<15680xi32, #tpu.memory_space<vmem>>, vector<16xi32>,
        %get3A_400 = vector.shape_cast %get3A_399 : vector<16xi32> to vector<16xi32>
        %lt3A_401 = arith.cmpf olt, %get3A_395, %select_n3A_389 : vector<16xf32>
        %select_n3A_402 = arith.select %lt3A_401, %get3A_395, %select_n3A_389 : vector<16xi1>, vector<16xf32>
        %select_n3A_403 = arith.select %lt3A_401, %get3A_400, %select_n3A_390 : vector<16xi1>, vector<16xi32>
        %add3A_404 = arith.constant 8624 : i32
        %add3A_405 = arith.addi %add3A_404, %mul3A_267 : i32
        %get3A_406 = arith.index_cast %add3A_405 : i32 to index
        %get3A_407 = tpu.vector_load %arg8[%get3A_406] {strides = array<i32>} : memref<15680xf32, #tpu.memory_space<vmem>>, vector<16xf32>,
        %get3A_408 = vector.shape_cast %get3A_407 : vector<16xf32> to vector<16xf32>
        %add3A_409 = arith.constant 8624 : i32
        %add3A_410 = arith.addi %add3A_409, %mul3A_267 : i32
        %get3A_411 = arith.index_cast %add3A_410 : i32 to index
        %get3A_412 = tpu.vector_load %arg9[%get3A_411] {strides = array<i32>} : memref<15680xi32, #tpu.memory_space<vmem>>, vector<16xi32>,
        %get3A_413 = vector.shape_cast %get3A_412 : vector<16xi32> to vector<16xi32>
        %lt3A_414 = arith.cmpf olt, %get3A_408, %select_n3A_402 : vector<16xf32>
        %select_n3A_415 = arith.select %lt3A_414, %get3A_408, %select_n3A_402 : vector<16xi1>, vector<16xf32>
        %select_n3A_416 = arith.select %lt3A_414, %get3A_413, %select_n3A_403 : vector<16xi1>, vector<16xi32>
        %add3A_417 = arith.constant 9408 : i32
        %add3A_418 = arith.addi %add3A_417, %mul3A_267 : i32
        %get3A_419 = arith.index_cast %add3A_418 : i32 to index
        %get3A_420 = tpu.vector_load %arg8[%get3A_419] {strides = array<i32>} : memref<15680xf32, #tpu.memory_space<vmem>>, vector<16xf32>,
        %get3A_421 = vector.shape_cast %get3A_420 : vector<16xf32> to vector<16xf32>
        %add3A_422 = arith.constant 9408 : i32
        %add3A_423 = arith.addi %add3A_422, %mul3A_267 : i32
        %get3A_424 = arith.index_cast %add3A_423 : i32 to index
        %get3A_425 = tpu.vector_load %arg9[%get3A_424] {strides = array<i32>} : memref<15680xi32, #tpu.memory_space<vmem>>, vector<16xi32>,
        %get3A_426 = vector.shape_cast %get3A_425 : vector<16xi32> to vector<16xi32>
        %lt3A_427 = arith.cmpf olt, %get3A_421, %select_n3A_415 : vector<16xf32>
        %select_n3A_428 = arith.select %lt3A_427, %get3A_421, %select_n3A_415 : vector<16xi1>, vector<16xf32>
        %select_n3A_429 = arith.select %lt3A_427, %get3A_426, %select_n3A_416 : vector<16xi1>, vector<16xi32>
        %add3A_430 = arith.constant 10192 : i32
        %add3A_431 = arith.addi %add3A_430, %mul3A_267 : i32
        %get3A_432 = arith.index_cast %add3A_431 : i32 to index
        %get3A_433 = tpu.vector_load %arg8[%get3A_432] {strides = array<i32>} : memref<15680xf32, #tpu.memory_space<vmem>>, vector<16xf32>,
        %get3A_434 = vector.shape_cast %get3A_433 : vector<16xf32> to vector<16xf32>
        %add3A_435 = arith.constant 10192 : i32
        %add3A_436 = arith.addi %add3A_435, %mul3A_267 : i32
        %get3A_437 = arith.index_cast %add3A_436 : i32 to index
        %get3A_438 = tpu.vector_load %arg9[%get3A_437] {strides = array<i32>} : memref<15680xi32, #tpu.memory_space<vmem>>, vector<16xi32>,
        %get3A_439 = vector.shape_cast %get3A_438 : vector<16xi32> to vector<16xi32>
        %lt3A_440 = arith.cmpf olt, %get3A_434, %select_n3A_428 : vector<16xf32>
        %select_n3A_441 = arith.select %lt3A_440, %get3A_434, %select_n3A_428 : vector<16xi1>, vector<16xf32>
        %select_n3A_442 = arith.select %lt3A_440, %get3A_439, %select_n3A_429 : vector<16xi1>, vector<16xi32>
        %add3A_443 = arith.constant 10976 : i32
        %add3A_444 = arith.addi %add3A_443, %mul3A_267 : i32
        %get3A_445 = arith.index_cast %add3A_444 : i32 to index
        %get3A_446 = tpu.vector_load %arg8[%get3A_445] {strides = array<i32>} : memref<15680xf32, #tpu.memory_space<vmem>>, vector<16xf32>,
        %get3A_447 = vector.shape_cast %get3A_446 : vector<16xf32> to vector<16xf32>
        %add3A_448 = arith.constant 10976 : i32
        %add3A_449 = arith.addi %add3A_448, %mul3A_267 : i32
        %get3A_450 = arith.index_cast %add3A_449 : i32 to index
        %get3A_451 = tpu.vector_load %arg9[%get3A_450] {strides = array<i32>} : memref<15680xi32, #tpu.memory_space<vmem>>, vector<16xi32>,
        %get3A_452 = vector.shape_cast %get3A_451 : vector<16xi32> to vector<16xi32>
        %lt3A_453 = arith.cmpf olt, %get3A_447, %select_n3A_441 : vector<16xf32>
        %select_n3A_454 = arith.select %lt3A_453, %get3A_447, %select_n3A_441 : vector<16xi1>, vector<16xf32>
        %select_n3A_455 = arith.select %lt3A_453, %get3A_452, %select_n3A_442 : vector<16xi1>, vector<16xi32>
        %add3A_456 = arith.constant 11760 : i32
        %add3A_457 = arith.addi %add3A_456, %mul3A_267 : i32
        %get3A_458 = arith.index_cast %add3A_457 : i32 to index
        %get3A_459 = tpu.vector_load %arg8[%get3A_458] {strides = array<i32>} : memref<15680xf32, #tpu.memory_space<vmem>>, vector<16xf32>,
        %get3A_460 = vector.shape_cast %get3A_459 : vector<16xf32> to vector<16xf32>
        %add3A_461 = arith.constant 11760 : i32
        %add3A_462 = arith.addi %add3A_461, %mul3A_267 : i32
        %get3A_463 = arith.index_cast %add3A_462 : i32 to index
        %get3A_464 = tpu.vector_load %arg9[%get3A_463] {strides = array<i32>} : memref<15680xi32, #tpu.memory_space<vmem>>, vector<16xi32>,
        %get3A_465 = vector.shape_cast %get3A_464 : vector<16xi32> to vector<16xi32>
        %lt3A_466 = arith.cmpf olt, %get3A_460, %select_n3A_454 : vector<16xf32>
        %select_n3A_467 = arith.select %lt3A_466, %get3A_460, %select_n3A_454 : vector<16xi1>, vector<16xf32>
        %select_n3A_468 = arith.select %lt3A_466, %get3A_465, %select_n3A_455 : vector<16xi1>, vector<16xi32>
        %add3A_469 = arith.constant 12544 : i32
        %add3A_470 = arith.addi %add3A_469, %mul3A_267 : i32
        %get3A_471 = arith.index_cast %add3A_470 : i32 to index
        %get3A_472 = tpu.vector_load %arg8[%get3A_471] {strides = array<i32>} : memref<15680xf32, #tpu.memory_space<vmem>>, vector<16xf32>,
        %get3A_473 = vector.shape_cast %get3A_472 : vector<16xf32> to vector<16xf32>
        %add3A_474 = arith.constant 12544 : i32
        %add3A_475 = arith.addi %add3A_474, %mul3A_267 : i32
        %get3A_476 = arith.index_cast %add3A_475 : i32 to index
        %get3A_477 = tpu.vector_load %arg9[%get3A_476] {strides = array<i32>} : memref<15680xi32, #tpu.memory_space<vmem>>, vector<16xi32>,
        %get3A_478 = vector.shape_cast %get3A_477 : vector<16xi32> to vector<16xi32>
        %lt3A_479 = arith.cmpf olt, %get3A_473, %select_n3A_467 : vector<16xf32>
        %select_n3A_480 = arith.select %lt3A_479, %get3A_473, %select_n3A_467 : vector<16xi1>, vector<16xf32>
        %select_n3A_481 = arith.select %lt3A_479, %get3A_478, %select_n3A_468 : vector<16xi1>, vector<16xi32>
        %add3A_482 = arith.constant 13328 : i32
        %add3A_483 = arith.addi %add3A_482, %mul3A_267 : i32
        %get3A_484 = arith.index_cast %add3A_483 : i32 to index
        %get3A_485 = tpu.vector_load %arg8[%get3A_484] {strides = array<i32>} : memref<15680xf32, #tpu.memory_space<vmem>>, vector<16xf32>,
        %get3A_486 = vector.shape_cast %get3A_485 : vector<16xf32> to vector<16xf32>
        %add3A_487 = arith.constant 13328 : i32
        %add3A_488 = arith.addi %add3A_487, %mul3A_267 : i32
        %get3A_489 = arith.index_cast %add3A_488 : i32 to index
        %get3A_490 = tpu.vector_load %arg9[%get3A_489] {strides = array<i32>} : memref<15680xi32, #tpu.memory_space<vmem>>, vector<16xi32>,
        %get3A_491 = vector.shape_cast %get3A_490 : vector<16xi32> to vector<16xi32>
        %lt3A_492 = arith.cmpf olt, %get3A_486, %select_n3A_480 : vector<16xf32>
        %select_n3A_493 = arith.select %lt3A_492, %get3A_486, %select_n3A_480 : vector<16xi1>, vector<16xf32>
        %select_n3A_494 = arith.select %lt3A_492, %get3A_491, %select_n3A_481 : vector<16xi1>, vector<16xi32>
        %add3A_495 = arith.constant 14112 : i32
        %add3A_496 = arith.addi %add3A_495, %mul3A_267 : i32
        %get3A_497 = arith.index_cast %add3A_496 : i32 to index
        %get3A_498 = tpu.vector_load %arg8[%get3A_497] {strides = array<i32>} : memref<15680xf32, #tpu.memory_space<vmem>>, vector<16xf32>,
        %get3A_499 = vector.shape_cast %get3A_498 : vector<16xf32> to vector<16xf32>
        %add3A_500 = arith.constant 14112 : i32
        %add3A_501 = arith.addi %add3A_500, %mul3A_267 : i32
        %get3A_502 = arith.index_cast %add3A_501 : i32 to index
        %get3A_503 = tpu.vector_load %arg9[%get3A_502] {strides = array<i32>} : memref<15680xi32, #tpu.memory_space<vmem>>, vector<16xi32>,
        %get3A_504 = vector.shape_cast %get3A_503 : vector<16xi32> to vector<16xi32>
        %lt3A_505 = arith.cmpf olt, %get3A_499, %select_n3A_493 : vector<16xf32>
        %select_n3A_506 = arith.select %lt3A_505, %get3A_499, %select_n3A_493 : vector<16xi1>, vector<16xf32>
        %select_n3A_507 = arith.select %lt3A_505, %get3A_504, %select_n3A_494 : vector<16xi1>, vector<16xi32>
        %add3A_508 = arith.constant 14896 : i32
        %add3A_509 = arith.addi %add3A_508, %mul3A_267 : i32
        %get3A_510 = arith.index_cast %add3A_509 : i32 to index
        %get3A_511 = tpu.vector_load %arg8[%get3A_510] {strides = array<i32>} : memref<15680xf32, #tpu.memory_space<vmem>>, vector<16xf32>,
        %get3A_512 = vector.shape_cast %get3A_511 : vector<16xf32> to vector<16xf32>
        %add3A_513 = arith.constant 14896 : i32
        %add3A_514 = arith.addi %add3A_513, %mul3A_267 : i32
        %get3A_515 = arith.index_cast %add3A_514 : i32 to index
        %get3A_516 = tpu.vector_load %arg9[%get3A_515] {strides = array<i32>} : memref<15680xi32, #tpu.memory_space<vmem>>, vector<16xi32>,
        %get3A_517 = vector.shape_cast %get3A_516 : vector<16xi32> to vector<16xi32>
        %lt3A_518 = arith.cmpf olt, %get3A_512, %select_n3A_506 : vector<16xf32>
        %select_n3A_519 = arith.select %lt3A_518, %get3A_512, %select_n3A_506 : vector<16xi1>, vector<16xf32>
        %select_n3A_520 = arith.select %lt3A_518, %get3A_517, %select_n3A_507 : vector<16xi1>, vector<16xi32>
        %get3A_521 = arith.index_cast %mul3A_267 : i32 to index
        %get3A_522 = tpu.vector_load %arg10[%get3A_521] {strides = array<i32>} : memref<784xf32, #tpu.memory_space<vmem>>, vector<16xf32>,
        %get3A_523 = vector.shape_cast %get3A_522 : vector<16xf32> to vector<16xf32>
        %mul3A_524 = arith.constant 2.000000e+00 : f32
        %mul3A_525 = vector.broadcast %mul3A_524 : f32 to vector<16xf32>
        %mul3A_526 = arith.mulf %mul3A_525, %select_n3A_519 : vector<16xf32>
        %add3A_527 = arith.addf %get3A_523, %mul3A_526 : vector<16xf32>
        %max3A_528 = arith.constant 9.99999996E-13 : f32
        %max3A_529 = vector.broadcast %max3A_528 : f32 to vector<16xf32>
        %max3A_530 = arith.maximumf %add3A_527, %max3A_529 : vector<16xf32>
        %swap3A_531 = arith.index_cast %mul3A_267 : i32 to index
        %swap3A_532 = tpu.vector_load %arg11[%swap3A_531] {strides = array<i32>} : memref<800xf32, #tpu.memory_space<vmem>>, vector<16xf32>,
        %swap3A_533 = vector.shape_cast %swap3A_532 : vector<16xf32> to vector<16xf32>
        %swap3A_534 = vector.shape_cast %max3A_530 : vector<16xf32> to vector<16xf32>
        tpu.vector_store %arg11[%swap3A_531], %swap3A_534 {strides = array<i32>} : memref<800xf32, #tpu.memory_space<vmem>>, vector<16xf32>,
        %swap3A_535 = arith.index_cast %mul3A_267 : i32 to index
        %swap3A_536 = tpu.vector_load %arg12[%swap3A_535] {strides = array<i32>} : memref<784xi32, #tpu.memory_space<vmem>>, vector<16xi32>,
        %swap3A_537 = vector.shape_cast %swap3A_536 : vector<16xi32> to vector<16xi32>
        %swap3A_538 = vector.shape_cast %select_n3A_520 : vector<16xi32> to vector<16xi32>
        tpu.vector_store %arg12[%swap3A_535], %swap3A_538 {strides = array<i32>} : memref<784xi32, #tpu.memory_space<vmem>>, vector<16xi32>,
        %scan3A_539 = arith.constant 0 : i32
        scf.yield %scan3A_539 : i32
      }
      %scan3A_8 = arith.constant 49 : i32
      %broadcast_in_dim3A = arith.constant -3.000000e+38 : f32
      %broadcast_in_dim3A_9 = vector.broadcast %broadcast_in_dim3A : f32 to vector<16xf32>
      %swap3A = arith.constant 784 : index
      %swap3A_10 = tpu.vector_load %arg11[%swap3A] {strides = array<i32>} : memref<800xf32, #tpu.memory_space<vmem>>, vector<16xf32>,
      %swap3A_11 = vector.shape_cast %swap3A_10 : vector<16xf32> to vector<16xf32>
      %swap3A_12 = vector.shape_cast %broadcast_in_dim3A_9 : vector<16xf32> to vector<16xf32>
      tpu.vector_store %arg11[%swap3A], %swap3A_12 {strides = array<i32>} : memref<800xf32, #tpu.memory_space<vmem>>, vector<16xf32>,
      %iota3A = tpu.iota {dimensions = array<i32: 0>} : vector<16xi32>
      %broadcast_in_dim3A_13 = arith.constant -3.000000e+38 : f32
      %broadcast_in_dim3A_14 = vector.broadcast %broadcast_in_dim3A_13 : f32 to vector<16xf32>
      %get3A = arith.constant 0 : index
      %get3A_15 = tpu.vector_load %arg11[%get3A] {strides = array<i32>} : memref<800xf32, #tpu.memory_space<vmem>>, vector<16xf32>,
      %get3A_16 = vector.shape_cast %get3A_15 : vector<16xf32> to vector<16xf32>
      %max3A = arith.maximumf %broadcast_in_dim3A_14, %get3A_16 : vector<16xf32>
      %get3A_17 = arith.constant 16 : index
      %get3A_18 = tpu.vector_load %arg11[%get3A_17] {strides = array<i32>} : memref<800xf32, #tpu.memory_space<vmem>>, vector<16xf32>,
      %get3A_19 = vector.shape_cast %get3A_18 : vector<16xf32> to vector<16xf32>
      %max3A_20 = arith.maximumf %max3A, %get3A_19 : vector<16xf32>
      %get3A_21 = arith.constant 32 : index
      %get3A_22 = tpu.vector_load %arg11[%get3A_21] {strides = array<i32>} : memref<800xf32, #tpu.memory_space<vmem>>, vector<16xf32>,
      %get3A_23 = vector.shape_cast %get3A_22 : vector<16xf32> to vector<16xf32>
      %max3A_24 = arith.maximumf %max3A_20, %get3A_23 : vector<16xf32>
      %get3A_25 = arith.constant 48 : index
      %get3A_26 = tpu.vector_load %arg11[%get3A_25] {strides = array<i32>} : memref<800xf32, #tpu.memory_space<vmem>>, vector<16xf32>,
      %get3A_27 = vector.shape_cast %get3A_26 : vector<16xf32> to vector<16xf32>
      %max3A_28 = arith.maximumf %max3A_24, %get3A_27 : vector<16xf32>
      %get3A_29 = arith.constant 64 : index
      %get3A_30 = tpu.vector_load %arg11[%get3A_29] {strides = array<i32>} : memref<800xf32, #tpu.memory_space<vmem>>, vector<16xf32>,
      %get3A_31 = vector.shape_cast %get3A_30 : vector<16xf32> to vector<16xf32>
      %max3A_32 = arith.maximumf %max3A_28, %get3A_31 : vector<16xf32>
      %get3A_33 = arith.constant 80 : index
      %get3A_34 = tpu.vector_load %arg11[%get3A_33] {strides = array<i32>} : memref<800xf32, #tpu.memory_space<vmem>>, vector<16xf32>,
      %get3A_35 = vector.shape_cast %get3A_34 : vector<16xf32> to vector<16xf32>
      %max3A_36 = arith.maximumf %max3A_32, %get3A_35 : vector<16xf32>
      %get3A_37 = arith.constant 96 : index
      %get3A_38 = tpu.vector_load %arg11[%get3A_37] {strides = array<i32>} : memref<800xf32, #tpu.memory_space<vmem>>, vector<16xf32>,
      %get3A_39 = vector.shape_cast %get3A_38 : vector<16xf32> to vector<16xf32>
      %max3A_40 = arith.maximumf %max3A_36, %get3A_39 : vector<16xf32>
      %get3A_41 = arith.constant 112 : index
      %get3A_42 = tpu.vector_load %arg11[%get3A_41] {strides = array<i32>} : memref<800xf32, #tpu.memory_space<vmem>>, vector<16xf32>,
      %get3A_43 = vector.shape_cast %get3A_42 : vector<16xf32> to vector<16xf32>
      %max3A_44 = arith.maximumf %max3A_40, %get3A_43 : vector<16xf32>
      %get3A_45 = arith.constant 128 : index
      %get3A_46 = tpu.vector_load %arg11[%get3A_45] {strides = array<i32>} : memref<800xf32, #tpu.memory_space<vmem>>, vector<16xf32>,
      %get3A_47 = vector.shape_cast %get3A_46 : vector<16xf32> to vector<16xf32>
      %max3A_48 = arith.maximumf %max3A_44, %get3A_47 : vector<16xf32>
      %get3A_49 = arith.constant 144 : index
      %get3A_50 = tpu.vector_load %arg11[%get3A_49] {strides = array<i32>} : memref<800xf32, #tpu.memory_space<vmem>>, vector<16xf32>,
      %get3A_51 = vector.shape_cast %get3A_50 : vector<16xf32> to vector<16xf32>
      %max3A_52 = arith.maximumf %max3A_48, %get3A_51 : vector<16xf32>
      %get3A_53 = arith.constant 160 : index
      %get3A_54 = tpu.vector_load %arg11[%get3A_53] {strides = array<i32>} : memref<800xf32, #tpu.memory_space<vmem>>, vector<16xf32>,
      %get3A_55 = vector.shape_cast %get3A_54 : vector<16xf32> to vector<16xf32>
      %max3A_56 = arith.maximumf %max3A_52, %get3A_55 : vector<16xf32>
      %get3A_57 = arith.constant 176 : index
      %get3A_58 = tpu.vector_load %arg11[%get3A_57] {strides = array<i32>} : memref<800xf32, #tpu.memory_space<vmem>>, vector<16xf32>,
      %get3A_59 = vector.shape_cast %get3A_58 : vector<16xf32> to vector<16xf32>
      %max3A_60 = arith.maximumf %max3A_56, %get3A_59 : vector<16xf32>
      %get3A_61 = arith.constant 192 : index
      %get3A_62 = tpu.vector_load %arg11[%get3A_61] {strides = array<i32>} : memref<800xf32, #tpu.memory_space<vmem>>, vector<16xf32>,
      %get3A_63 = vector.shape_cast %get3A_62 : vector<16xf32> to vector<16xf32>
      %lt3A = arith.constant 4 : i32
      %lt3A_64 = vector.broadcast %lt3A : i32 to vector<16xi32>
      %lt3A_65 = arith.cmpi slt, %iota3A, %lt3A_64 : vector<16xi32>
      %jit3A = arith.constant -3.000000e+38 : f32
      %broadcast_in_dim3A_66 = vector.broadcast %jit3A : f32 to vector<16xf32>
      %select_n3A = arith.select %lt3A_65, %get3A_63, %broadcast_in_dim3A_66 : vector<16xi1>, vector<16xf32>
      %max3A_67 = arith.maximumf %max3A_60, %select_n3A : vector<16xf32>
      %swap3A_68 = arith.constant 0 : index
      %swap3A_69 = tpu.vector_load %arg13[%swap3A_68] {strides = array<i32>} : memref<64xf32, #tpu.memory_space<vmem>>, vector<16xf32>,
      %swap3A_70 = vector.shape_cast %swap3A_69 : vector<16xf32> to vector<16xf32>
      %swap3A_71 = vector.shape_cast %max3A_67 : vector<16xf32> to vector<16xf32>
      tpu.vector_store %arg13[%swap3A_68], %swap3A_71 {strides = array<i32>} : memref<64xf32, #tpu.memory_space<vmem>>, vector<16xf32>,
      %broadcast_in_dim3A_72 = arith.constant -3.000000e+38 : f32
      %broadcast_in_dim3A_73 = vector.broadcast %broadcast_in_dim3A_72 : f32 to vector<16xf32>
      %get3A_74 = arith.constant 196 : index
      %get3A_75 = tpu.vector_load %arg11[%get3A_74] {strides = array<i32>} : memref<800xf32, #tpu.memory_space<vmem>>, vector<16xf32>,
      %get3A_76 = vector.shape_cast %get3A_75 : vector<16xf32> to vector<16xf32>
      %max3A_77 = arith.maximumf %broadcast_in_dim3A_73, %get3A_76 : vector<16xf32>
      %get3A_78 = arith.constant 212 : index
      %get3A_79 = tpu.vector_load %arg11[%get3A_78] {strides = array<i32>} : memref<800xf32, #tpu.memory_space<vmem>>, vector<16xf32>,
      %get3A_80 = vector.shape_cast %get3A_79 : vector<16xf32> to vector<16xf32>
      %max3A_81 = arith.maximumf %max3A_77, %get3A_80 : vector<16xf32>
      %get3A_82 = arith.constant 228 : index
      %get3A_83 = tpu.vector_load %arg11[%get3A_82] {strides = array<i32>} : memref<800xf32, #tpu.memory_space<vmem>>, vector<16xf32>,
      %get3A_84 = vector.shape_cast %get3A_83 : vector<16xf32> to vector<16xf32>
      %max3A_85 = arith.maximumf %max3A_81, %get3A_84 : vector<16xf32>
      %get3A_86 = arith.constant 244 : index
      %get3A_87 = tpu.vector_load %arg11[%get3A_86] {strides = array<i32>} : memref<800xf32, #tpu.memory_space<vmem>>, vector<16xf32>,
      %get3A_88 = vector.shape_cast %get3A_87 : vector<16xf32> to vector<16xf32>
      %max3A_89 = arith.maximumf %max3A_85, %get3A_88 : vector<16xf32>
      %get3A_90 = arith.constant 260 : index
      %get3A_91 = tpu.vector_load %arg11[%get3A_90] {strides = array<i32>} : memref<800xf32, #tpu.memory_space<vmem>>, vector<16xf32>,
      %get3A_92 = vector.shape_cast %get3A_91 : vector<16xf32> to vector<16xf32>
      %max3A_93 = arith.maximumf %max3A_89, %get3A_92 : vector<16xf32>
      %get3A_94 = arith.constant 276 : index
      %get3A_95 = tpu.vector_load %arg11[%get3A_94] {strides = array<i32>} : memref<800xf32, #tpu.memory_space<vmem>>, vector<16xf32>,
      %get3A_96 = vector.shape_cast %get3A_95 : vector<16xf32> to vector<16xf32>
      %max3A_97 = arith.maximumf %max3A_93, %get3A_96 : vector<16xf32>
      %get3A_98 = arith.constant 292 : index
      %get3A_99 = tpu.vector_load %arg11[%get3A_98] {strides = array<i32>} : memref<800xf32, #tpu.memory_space<vmem>>, vector<16xf32>,
      %get3A_100 = vector.shape_cast %get3A_99 : vector<16xf32> to vector<16xf32>
      %max3A_101 = arith.maximumf %max3A_97, %get3A_100 : vector<16xf32>
      %get3A_102 = arith.constant 308 : index
      %get3A_103 = tpu.vector_load %arg11[%get3A_102] {strides = array<i32>} : memref<800xf32, #tpu.memory_space<vmem>>, vector<16xf32>,
      %get3A_104 = vector.shape_cast %get3A_103 : vector<16xf32> to vector<16xf32>
      %max3A_105 = arith.maximumf %max3A_101, %get3A_104 : vector<16xf32>
      %get3A_106 = arith.constant 324 : index
      %get3A_107 = tpu.vector_load %arg11[%get3A_106] {strides = array<i32>} : memref<800xf32, #tpu.memory_space<vmem>>, vector<16xf32>,
      %get3A_108 = vector.shape_cast %get3A_107 : vector<16xf32> to vector<16xf32>
      %max3A_109 = arith.maximumf %max3A_105, %get3A_108 : vector<16xf32>
      %get3A_110 = arith.constant 340 : index
      %get3A_111 = tpu.vector_load %arg11[%get3A_110] {strides = array<i32>} : memref<800xf32, #tpu.memory_space<vmem>>, vector<16xf32>,
      %get3A_112 = vector.shape_cast %get3A_111 : vector<16xf32> to vector<16xf32>
      %max3A_113 = arith.maximumf %max3A_109, %get3A_112 : vector<16xf32>
      %get3A_114 = arith.constant 356 : index
      %get3A_115 = tpu.vector_load %arg11[%get3A_114] {strides = array<i32>} : memref<800xf32, #tpu.memory_space<vmem>>, vector<16xf32>,
      %get3A_116 = vector.shape_cast %get3A_115 : vector<16xf32> to vector<16xf32>
      %max3A_117 = arith.maximumf %max3A_113, %get3A_116 : vector<16xf32>
      %get3A_118 = arith.constant 372 : index
      %get3A_119 = tpu.vector_load %arg11[%get3A_118] {strides = array<i32>} : memref<800xf32, #tpu.memory_space<vmem>>, vector<16xf32>,
      %get3A_120 = vector.shape_cast %get3A_119 : vector<16xf32> to vector<16xf32>
      %max3A_121 = arith.maximumf %max3A_117, %get3A_120 : vector<16xf32>
      %get3A_122 = arith.constant 388 : index
      %get3A_123 = tpu.vector_load %arg11[%get3A_122] {strides = array<i32>} : memref<800xf32, #tpu.memory_space<vmem>>, vector<16xf32>,
      %get3A_124 = vector.shape_cast %get3A_123 : vector<16xf32> to vector<16xf32>
      %lt3A_125 = arith.constant 4 : i32
      %lt3A_126 = vector.broadcast %lt3A_125 : i32 to vector<16xi32>
      %lt3A_127 = arith.cmpi slt, %iota3A, %lt3A_126 : vector<16xi32>
      %jit3A_128 = arith.constant -3.000000e+38 : f32
      %broadcast_in_dim3A_129 = vector.broadcast %jit3A_128 : f32 to vector<16xf32>
      %select_n3A_130 = arith.select %lt3A_127, %get3A_124, %broadcast_in_dim3A_129 : vector<16xi1>, vector<16xf32>
      %max3A_131 = arith.maximumf %max3A_121, %select_n3A_130 : vector<16xf32>
      %swap3A_132 = arith.constant 16 : index
      %swap3A_133 = tpu.vector_load %arg13[%swap3A_132] {strides = array<i32>} : memref<64xf32, #tpu.memory_space<vmem>>, vector<16xf32>,
      %swap3A_134 = vector.shape_cast %swap3A_133 : vector<16xf32> to vector<16xf32>
      %swap3A_135 = vector.shape_cast %max3A_131 : vector<16xf32> to vector<16xf32>
      tpu.vector_store %arg13[%swap3A_132], %swap3A_135 {strides = array<i32>} : memref<64xf32, #tpu.memory_space<vmem>>, vector<16xf32>,
      %broadcast_in_dim3A_136 = arith.constant -3.000000e+38 : f32
      %broadcast_in_dim3A_137 = vector.broadcast %broadcast_in_dim3A_136 : f32 to vector<16xf32>
      %get3A_138 = arith.constant 392 : index
      %get3A_139 = tpu.vector_load %arg11[%get3A_138] {strides = array<i32>} : memref<800xf32, #tpu.memory_space<vmem>>, vector<16xf32>,
      %get3A_140 = vector.shape_cast %get3A_139 : vector<16xf32> to vector<16xf32>
      %max3A_141 = arith.maximumf %broadcast_in_dim3A_137, %get3A_140 : vector<16xf32>
      %get3A_142 = arith.constant 408 : index
      %get3A_143 = tpu.vector_load %arg11[%get3A_142] {strides = array<i32>} : memref<800xf32, #tpu.memory_space<vmem>>, vector<16xf32>,
      %get3A_144 = vector.shape_cast %get3A_143 : vector<16xf32> to vector<16xf32>
      %max3A_145 = arith.maximumf %max3A_141, %get3A_144 : vector<16xf32>
      %get3A_146 = arith.constant 424 : index
      %get3A_147 = tpu.vector_load %arg11[%get3A_146] {strides = array<i32>} : memref<800xf32, #tpu.memory_space<vmem>>, vector<16xf32>,
      %get3A_148 = vector.shape_cast %get3A_147 : vector<16xf32> to vector<16xf32>
      %max3A_149 = arith.maximumf %max3A_145, %get3A_148 : vector<16xf32>
      %get3A_150 = arith.constant 440 : index
      %get3A_151 = tpu.vector_load %arg11[%get3A_150] {strides = array<i32>} : memref<800xf32, #tpu.memory_space<vmem>>, vector<16xf32>,
      %get3A_152 = vector.shape_cast %get3A_151 : vector<16xf32> to vector<16xf32>
      %max3A_153 = arith.maximumf %max3A_149, %get3A_152 : vector<16xf32>
      %get3A_154 = arith.constant 456 : index
      %get3A_155 = tpu.vector_load %arg11[%get3A_154] {strides = array<i32>} : memref<800xf32, #tpu.memory_space<vmem>>, vector<16xf32>,
      %get3A_156 = vector.shape_cast %get3A_155 : vector<16xf32> to vector<16xf32>
      %max3A_157 = arith.maximumf %max3A_153, %get3A_156 : vector<16xf32>
      %get3A_158 = arith.constant 472 : index
      %get3A_159 = tpu.vector_load %arg11[%get3A_158] {strides = array<i32>} : memref<800xf32, #tpu.memory_space<vmem>>, vector<16xf32>,
      %get3A_160 = vector.shape_cast %get3A_159 : vector<16xf32> to vector<16xf32>
      %max3A_161 = arith.maximumf %max3A_157, %get3A_160 : vector<16xf32>
      %get3A_162 = arith.constant 488 : index
      %get3A_163 = tpu.vector_load %arg11[%get3A_162] {strides = array<i32>} : memref<800xf32, #tpu.memory_space<vmem>>, vector<16xf32>,
      %get3A_164 = vector.shape_cast %get3A_163 : vector<16xf32> to vector<16xf32>
      %max3A_165 = arith.maximumf %max3A_161, %get3A_164 : vector<16xf32>
      %get3A_166 = arith.constant 504 : index
      %get3A_167 = tpu.vector_load %arg11[%get3A_166] {strides = array<i32>} : memref<800xf32, #tpu.memory_space<vmem>>, vector<16xf32>,
      %get3A_168 = vector.shape_cast %get3A_167 : vector<16xf32> to vector<16xf32>
      %max3A_169 = arith.maximumf %max3A_165, %get3A_168 : vector<16xf32>
      %get3A_170 = arith.constant 520 : index
      %get3A_171 = tpu.vector_load %arg11[%get3A_170] {strides = array<i32>} : memref<800xf32, #tpu.memory_space<vmem>>, vector<16xf32>,
      %get3A_172 = vector.shape_cast %get3A_171 : vector<16xf32> to vector<16xf32>
      %max3A_173 = arith.maximumf %max3A_169, %get3A_172 : vector<16xf32>
      %get3A_174 = arith.constant 536 : index
      %get3A_175 = tpu.vector_load %arg11[%get3A_174] {strides = array<i32>} : memref<800xf32, #tpu.memory_space<vmem>>, vector<16xf32>,
      %get3A_176 = vector.shape_cast %get3A_175 : vector<16xf32> to vector<16xf32>
      %max3A_177 = arith.maximumf %max3A_173, %get3A_176 : vector<16xf32>
      %get3A_178 = arith.constant 552 : index
      %get3A_179 = tpu.vector_load %arg11[%get3A_178] {strides = array<i32>} : memref<800xf32, #tpu.memory_space<vmem>>, vector<16xf32>,
      %get3A_180 = vector.shape_cast %get3A_179 : vector<16xf32> to vector<16xf32>
      %max3A_181 = arith.maximumf %max3A_177, %get3A_180 : vector<16xf32>
      %get3A_182 = arith.constant 568 : index
      %get3A_183 = tpu.vector_load %arg11[%get3A_182] {strides = array<i32>} : memref<800xf32, #tpu.memory_space<vmem>>, vector<16xf32>,
      %get3A_184 = vector.shape_cast %get3A_183 : vector<16xf32> to vector<16xf32>
      %max3A_185 = arith.maximumf %max3A_181, %get3A_184 : vector<16xf32>
      %get3A_186 = arith.constant 584 : index
      %get3A_187 = tpu.vector_load %arg11[%get3A_186] {strides = array<i32>} : memref<800xf32, #tpu.memory_space<vmem>>, vector<16xf32>,
      %get3A_188 = vector.shape_cast %get3A_187 : vector<16xf32> to vector<16xf32>
      %lt3A_189 = arith.constant 4 : i32
      %lt3A_190 = vector.broadcast %lt3A_189 : i32 to vector<16xi32>
      %lt3A_191 = arith.cmpi slt, %iota3A, %lt3A_190 : vector<16xi32>
      %jit3A_192 = arith.constant -3.000000e+38 : f32
      %broadcast_in_dim3A_193 = vector.broadcast %jit3A_192 : f32 to vector<16xf32>
      %select_n3A_194 = arith.select %lt3A_191, %get3A_188, %broadcast_in_dim3A_193 : vector<16xi1>, vector<16xf32>
      %max3A_195 = arith.maximumf %max3A_185, %select_n3A_194 : vector<16xf32>
      %swap3A_196 = arith.constant 32 : index
      %swap3A_197 = tpu.vector_load %arg13[%swap3A_196] {strides = array<i32>} : memref<64xf32, #tpu.memory_space<vmem>>, vector<16xf32>,
      %swap3A_198 = vector.shape_cast %swap3A_197 : vector<16xf32> to vector<16xf32>
      %swap3A_199 = vector.shape_cast %max3A_195 : vector<16xf32> to vector<16xf32>
      tpu.vector_store %arg13[%swap3A_196], %swap3A_199 {strides = array<i32>} : memref<64xf32, #tpu.memory_space<vmem>>, vector<16xf32>,
      %broadcast_in_dim3A_200 = arith.constant -3.000000e+38 : f32
      %broadcast_in_dim3A_201 = vector.broadcast %broadcast_in_dim3A_200 : f32 to vector<16xf32>
      %get3A_202 = arith.constant 588 : index
      %get3A_203 = tpu.vector_load %arg11[%get3A_202] {strides = array<i32>} : memref<800xf32, #tpu.memory_space<vmem>>, vector<16xf32>,
      %get3A_204 = vector.shape_cast %get3A_203 : vector<16xf32> to vector<16xf32>
      %max3A_205 = arith.maximumf %broadcast_in_dim3A_201, %get3A_204 : vector<16xf32>
      %get3A_206 = arith.constant 604 : index
      %get3A_207 = tpu.vector_load %arg11[%get3A_206] {strides = array<i32>} : memref<800xf32, #tpu.memory_space<vmem>>, vector<16xf32>,
      %get3A_208 = vector.shape_cast %get3A_207 : vector<16xf32> to vector<16xf32>
      %max3A_209 = arith.maximumf %max3A_205, %get3A_208 : vector<16xf32>
      %get3A_210 = arith.constant 620 : index
      %get3A_211 = tpu.vector_load %arg11[%get3A_210] {strides = array<i32>} : memref<800xf32, #tpu.memory_space<vmem>>, vector<16xf32>,
      %get3A_212 = vector.shape_cast %get3A_211 : vector<16xf32> to vector<16xf32>
      %max3A_213 = arith.maximumf %max3A_209, %get3A_212 : vector<16xf32>
      %get3A_214 = arith.constant 636 : index
      %get3A_215 = tpu.vector_load %arg11[%get3A_214] {strides = array<i32>} : memref<800xf32, #tpu.memory_space<vmem>>, vector<16xf32>,
      %get3A_216 = vector.shape_cast %get3A_215 : vector<16xf32> to vector<16xf32>
      %max3A_217 = arith.maximumf %max3A_213, %get3A_216 : vector<16xf32>
      %get3A_218 = arith.constant 652 : index
      %get3A_219 = tpu.vector_load %arg11[%get3A_218] {strides = array<i32>} : memref<800xf32, #tpu.memory_space<vmem>>, vector<16xf32>,
      %get3A_220 = vector.shape_cast %get3A_219 : vector<16xf32> to vector<16xf32>
      %max3A_221 = arith.maximumf %max3A_217, %get3A_220 : vector<16xf32>
      %get3A_222 = arith.constant 668 : index
      %get3A_223 = tpu.vector_load %arg11[%get3A_222] {strides = array<i32>} : memref<800xf32, #tpu.memory_space<vmem>>, vector<16xf32>,
      %get3A_224 = vector.shape_cast %get3A_223 : vector<16xf32> to vector<16xf32>
      %max3A_225 = arith.maximumf %max3A_221, %get3A_224 : vector<16xf32>
      %get3A_226 = arith.constant 684 : index
      %get3A_227 = tpu.vector_load %arg11[%get3A_226] {strides = array<i32>} : memref<800xf32, #tpu.memory_space<vmem>>, vector<16xf32>,
      %get3A_228 = vector.shape_cast %get3A_227 : vector<16xf32> to vector<16xf32>
      %max3A_229 = arith.maximumf %max3A_225, %get3A_228 : vector<16xf32>
      %get3A_230 = arith.constant 700 : index
      %get3A_231 = tpu.vector_load %arg11[%get3A_230] {strides = array<i32>} : memref<800xf32, #tpu.memory_space<vmem>>, vector<16xf32>,
      %get3A_232 = vector.shape_cast %get3A_231 : vector<16xf32> to vector<16xf32>
      %max3A_233 = arith.maximumf %max3A_229, %get3A_232 : vector<16xf32>
      %get3A_234 = arith.constant 716 : index
      %get3A_235 = tpu.vector_load %arg11[%get3A_234] {strides = array<i32>} : memref<800xf32, #tpu.memory_space<vmem>>, vector<16xf32>,
      %get3A_236 = vector.shape_cast %get3A_235 : vector<16xf32> to vector<16xf32>
      %max3A_237 = arith.maximumf %max3A_233, %get3A_236 : vector<16xf32>
      %get3A_238 = arith.constant 732 : index
      %get3A_239 = tpu.vector_load %arg11[%get3A_238] {strides = array<i32>} : memref<800xf32, #tpu.memory_space<vmem>>, vector<16xf32>,
      %get3A_240 = vector.shape_cast %get3A_239 : vector<16xf32> to vector<16xf32>
      %max3A_241 = arith.maximumf %max3A_237, %get3A_240 : vector<16xf32>
      %get3A_242 = arith.constant 748 : index
      %get3A_243 = tpu.vector_load %arg11[%get3A_242] {strides = array<i32>} : memref<800xf32, #tpu.memory_space<vmem>>, vector<16xf32>,
      %get3A_244 = vector.shape_cast %get3A_243 : vector<16xf32> to vector<16xf32>
      %max3A_245 = arith.maximumf %max3A_241, %get3A_244 : vector<16xf32>
      %get3A_246 = arith.constant 764 : index
      %get3A_247 = tpu.vector_load %arg11[%get3A_246] {strides = array<i32>} : memref<800xf32, #tpu.memory_space<vmem>>, vector<16xf32>,
      %get3A_248 = vector.shape_cast %get3A_247 : vector<16xf32> to vector<16xf32>
      %max3A_249 = arith.maximumf %max3A_245, %get3A_248 : vector<16xf32>
      %get3A_250 = arith.constant 780 : index
      %get3A_251 = tpu.vector_load %arg11[%get3A_250] {strides = array<i32>} : memref<800xf32, #tpu.memory_space<vmem>>, vector<16xf32>,
      %get3A_252 = vector.shape_cast %get3A_251 : vector<16xf32> to vector<16xf32>
      %lt3A_253 = arith.constant 4 : i32
      %lt3A_254 = vector.broadcast %lt3A_253 : i32 to vector<16xi32>
      %lt3A_255 = arith.cmpi slt, %iota3A, %lt3A_254 : vector<16xi32>
      %jit3A_256 = arith.constant -3.000000e+38 : f32
      %broadcast_in_dim3A_257 = vector.broadcast %jit3A_256 : f32 to vector<16xf32>
      %select_n3A_258 = arith.select %lt3A_255, %get3A_252, %broadcast_in_dim3A_257 : vector<16xi1>, vector<16xf32>
      %max3A_259 = arith.maximumf %max3A_249, %select_n3A_258 : vector<16xf32>
      %swap3A_260 = arith.constant 48 : index
      %swap3A_261 = tpu.vector_load %arg13[%swap3A_260] {strides = array<i32>} : memref<64xf32, #tpu.memory_space<vmem>>, vector<16xf32>,
      %swap3A_262 = vector.shape_cast %swap3A_261 : vector<16xf32> to vector<16xf32>
      %swap3A_263 = vector.shape_cast %max3A_259 : vector<16xf32> to vector<16xf32>
      tpu.vector_store %arg13[%swap3A_260], %swap3A_263 {strides = array<i32>} : memref<64xf32, #tpu.memory_space<vmem>>, vector<16xf32>,
      "tpu.region"() ({
        %run_scoped3A = tpu.sem_alloc : memref<!tpu.dma_semaphore, #tpu.memory_space<semaphore_mem>>
        %dma_start3A = arith.constant 0 : i32
        %dma_start3A_264 = tpu.memref_slice %arg11[%dma_start3A] : memref<800xf32, #tpu.memory_space<vmem>> -> memref<784xf32, #tpu.memory_space<vmem>>
        %dma_start3A_265 = arith.constant 0 : i32
        %dma_start3A_266 = tpu.memref_slice %arg11[%dma_start3A_265] : memref<800xf32, #tpu.memory_space<vmem>> -> memref<784xf32, #tpu.memory_space<vmem>>
        tpu.enqueue_dma source(%dma_start3A_266 : memref<784xf32, #tpu.memory_space<vmem>>) target(%arg5 : memref<784xf32, #tpu.memory_space<hbm>>) target_semaphore(%run_scoped3A : memref<!tpu.dma_semaphore, #tpu.memory_space<semaphore_mem>>)
        %dma_wait3A = arith.constant 0 : i32
        %dma_wait3A_267 = tpu.memref_slice %arg11[%dma_wait3A] : memref<800xf32, #tpu.memory_space<vmem>> -> memref<784xf32, #tpu.memory_space<vmem>>
        %dma_wait3A_268 = arith.constant 0 : i32
        %dma_wait3A_269 = tpu.memref_slice %arg11[%dma_wait3A_268] : memref<800xf32, #tpu.memory_space<vmem>> -> memref<784xf32, #tpu.memory_space<vmem>>
        tpu.wait_dma2 semaphore(%run_scoped3A : memref<!tpu.dma_semaphore, #tpu.memory_space<semaphore_mem>>) src(%dma_wait3A_269 : memref<784xf32, #tpu.memory_space<vmem>>) dst(%arg5 : memref<784xf32, #tpu.memory_space<hbm>>)
        tpu.yield
      }) : () -> ()
      "tpu.region"() ({
        %run_scoped3A = tpu.sem_alloc : memref<!tpu.dma_semaphore, #tpu.memory_space<semaphore_mem>>
        %dma_start3A = arith.constant 0 : i32
        %dma_start3A_264 = tpu.memref_slice %arg12[%dma_start3A] : memref<784xi32, #tpu.memory_space<vmem>> -> memref<784xi32, #tpu.memory_space<vmem>>
        %dma_start3A_265 = arith.constant 0 : i32
        %dma_start3A_266 = tpu.memref_slice %arg12[%dma_start3A_265] : memref<784xi32, #tpu.memory_space<vmem>> -> memref<784xi32, #tpu.memory_space<vmem>>
        tpu.enqueue_dma source(%dma_start3A_266 : memref<784xi32, #tpu.memory_space<vmem>>) target(%arg6 : memref<784xi32, #tpu.memory_space<hbm>>) target_semaphore(%run_scoped3A : memref<!tpu.dma_semaphore, #tpu.memory_space<semaphore_mem>>)
        %dma_wait3A = arith.constant 0 : i32
        %dma_wait3A_267 = tpu.memref_slice %arg12[%dma_wait3A] : memref<784xi32, #tpu.memory_space<vmem>> -> memref<784xi32, #tpu.memory_space<vmem>>
        %dma_wait3A_268 = arith.constant 0 : i32
        %dma_wait3A_269 = tpu.memref_slice %arg12[%dma_wait3A_268] : memref<784xi32, #tpu.memory_space<vmem>> -> memref<784xi32, #tpu.memory_space<vmem>>
        tpu.wait_dma2 semaphore(%run_scoped3A : memref<!tpu.dma_semaphore, #tpu.memory_space<semaphore_mem>>) src(%dma_wait3A_269 : memref<784xi32, #tpu.memory_space<vmem>>) dst(%arg6 : memref<784xi32, #tpu.memory_space<hbm>>)
        tpu.yield
      }) : () -> ()
      "tpu.region"() ({
        %run_scoped3A = tpu.sem_alloc : memref<!tpu.dma_semaphore, #tpu.memory_space<semaphore_mem>>
        tpu.enqueue_dma source(%arg13 : memref<64xf32, #tpu.memory_space<vmem>>) target(%arg7 : memref<64xf32, #tpu.memory_space<hbm>>) target_semaphore(%run_scoped3A : memref<!tpu.dma_semaphore, #tpu.memory_space<semaphore_mem>>)
        tpu.wait_dma2 semaphore(%run_scoped3A : memref<!tpu.dma_semaphore, #tpu.memory_space<semaphore_mem>>) src(%arg13 : memref<64xf32, #tpu.memory_space<vmem>>) dst(%arg7 : memref<64xf32, #tpu.memory_space<hbm>>)
        tpu.yield
      }) : () -> ()
    } else {
    }
    return
  }
}

module attributes {stable_mosaic.version = 14 : i64} {
  func.func @_knn_block_kernel(%arg0: i32, %arg1: memref<784x128xf32, #tpu.memory_space<vmem>>, %arg2: memref<5000x128xf32, #tpu.memory_space<vmem>>, %arg3: memref<1x1x784xf32, #tpu.memory_space<vmem>>, %arg4: memref<1x1x784xi32, #tpu.memory_space<vmem>>) attributes {dimension_semantics = [#tpu.dimension_semantics<arbitrary>], iteration_bounds = array<i64: 20>, scalar_prefetch = 0 : i64, scratch_operands = 0 : i64, tpu.core_type = #tpu.core_type<tc>, window_params = [{pipeline_mode = #tpu.pipeline_mode<synchronous>, transform_indices = @transform_0, window_bounds = array<i64: 784, 128>}, {transform_indices = @transform_1, window_bounds = array<i64: 5000, 128>}, {transform_indices = @transform_2, window_bounds = array<i64: 1, 1, 784>}, {transform_indices = @transform_3, window_bounds = array<i64: 1, 1, 784>}]} {
    %get3A = arith.constant 0 : index
    %get3A_0 = arith.constant 0 : index
    %get3A_1 = vector.load %arg2[%get3A, %get3A_0] : memref<5000x128xf32, #tpu.memory_space<vmem>>, vector<5000x128xf32>
    %get3A_2 = arith.constant 0 : index
    %get3A_3 = arith.constant 0 : index
    %get3A_4 = vector.load %arg1[%get3A_2, %get3A_3] : memref<784x128xf32, #tpu.memory_space<vmem>>, vector<784x128xf32>
    %mul3A = arith.mulf %get3A_1, %get3A_1 : vector<5000x128xf32>
    %reduce_sum3A = arith.constant dense<0.000000e+00> : vector<5000xf32>
    %reduce_sum3A_5 = vector.multi_reduction <add>, %mul3A, %reduce_sum3A [1] : vector<5000x128xf32> to vector<5000xf32>
    %broadcast_in_dim3A = vector.shape_cast %reduce_sum3A_5 : vector<5000xf32> to vector<5000x1xf32>
    %mul3A_6 = arith.constant 5.000000e-01 : f32
    %mul3A_7 = vector.broadcast %mul3A_6 : f32 to vector<5000x1xf32>
    %mul3A_8 = arith.mulf %mul3A_7, %broadcast_in_dim3A : vector<5000x1xf32>
    %dot_general3A = arith.constant dense<0.000000e+00> : vector<5000x784xf32>
    %dot_general3A_9 = tpu.matmul %get3A_1, %get3A_4, %dot_general3A {dimension_numbers = #tpu.dot_dimension_numbers<[1], [1], [0], [0], [0, 0, 1, 0], [], []>, transpose_lhs_hint = false} : vector<5000x128xf32>, vector<784x128xf32>, vector<5000x784xf32> -> vector<5000x784xf32>
    %sub3A = vector.broadcast %mul3A_8 : vector<5000x1xf32> to vector<5000x784xf32>
    %sub3A_10 = arith.subf %sub3A, %dot_general3A_9 : vector<5000x784xf32>
    %reduce_min3A = arith.constant dense<0x7F800000> : vector<784xf32>
    %reduce_min3A_11 = vector.multi_reduction <minimumf>, %sub3A_10, %reduce_min3A [0] : vector<5000x784xf32> to vector<784xf32>
    %broadcast_in_dim3A_12 = vector.shape_cast %reduce_min3A_11 : vector<784xf32> to vector<1x784xf32>
    %swap3A = arith.constant 0 : index
    %swap3A_13 = arith.constant 0 : index
    %swap3A_14 = arith.constant 0 : index
    %swap3A_15 = vector.load %arg3[%swap3A, %swap3A_13, %swap3A_14] : memref<1x1x784xf32, #tpu.memory_space<vmem>>, vector<1x1x784xf32>
    %swap3A_16 = vector.shape_cast %swap3A_15 : vector<1x1x784xf32> to vector<1x784xf32>
    %swap3A_17 = vector.shape_cast %broadcast_in_dim3A_12 : vector<1x784xf32> to vector<1x1x784xf32>
    tpu.vector_store %arg3[%swap3A, %swap3A_13, %swap3A_14], %swap3A_17 {strides = array<i32>} : memref<1x1x784xf32, #tpu.memory_space<vmem>>, vector<1x1x784xf32>,
    %argmin3A = tpu.reduce_index %sub3A_10 {axis = 0 : i32, kind = #tpu.reduction_kind<arg_min>} : vector<5000x784xf32> -> vector<784xi32>
    %broadcast_in_dim3A_18 = vector.shape_cast %argmin3A : vector<784xi32> to vector<1x784xi32>
    %mul3A_19 = arith.constant 5000 : i32
    %mul3A_20 = arith.muli %arg0, %mul3A_19 : i32
    %add3A = vector.broadcast %mul3A_20 : i32 to vector<1x784xi32>
    %add3A_21 = arith.addi %broadcast_in_dim3A_18, %add3A : vector<1x784xi32>
    %swap3A_22 = arith.constant 0 : index
    %swap3A_23 = arith.constant 0 : index
    %swap3A_24 = arith.constant 0 : index
    %swap3A_25 = vector.load %arg4[%swap3A_22, %swap3A_23, %swap3A_24] : memref<1x1x784xi32, #tpu.memory_space<vmem>>, vector<1x1x784xi32>
    %swap3A_26 = vector.shape_cast %swap3A_25 : vector<1x1x784xi32> to vector<1x784xi32>
    %swap3A_27 = vector.shape_cast %add3A_21 : vector<1x784xi32> to vector<1x1x784xi32>
    tpu.vector_store %arg4[%swap3A_22, %swap3A_23, %swap3A_24], %swap3A_27 {strides = array<i32>} : memref<1x1x784xi32, #tpu.memory_space<vmem>>, vector<1x1x784xi32>,
    return
  }
  func.func @transform_0(%arg0: i32) -> (i32, i32) {
    %c0_i32 = arith.constant 0 : i32
    %c0_i32_0 = arith.constant 0 : i32
    %c0_i32_1 = arith.constant 0 : i32
    return %c0_i32, %c0_i32_0 : i32, i32
  }
  func.func @transform_1(%arg0: i32) -> (i32, i32) {
    %c0_i32 = arith.constant 0 : i32
    %c0_i32_0 = arith.constant 0 : i32
    return %arg0, %c0_i32 : i32, i32
  }
  func.func @transform_2(%arg0: i32) -> (i32, i32, i32) {
    %c0_i32 = arith.constant 0 : i32
    %c0_i32_0 = arith.constant 0 : i32
    %c0_i32_1 = arith.constant 0 : i32
    return %arg0, %c0_i32, %c0_i32_0 : i32, i32, i32
  }
  func.func @transform_3(%arg0: i32) -> (i32, i32, i32) {
    %c0_i32 = arith.constant 0 : i32
    %c0_i32_0 = arith.constant 0 : i32
    %c0_i32_1 = arith.constant 0 : i32
    return %arg0, %c0_i32, %c0_i32_0 : i32, i32, i32
  }
}

module attributes {stable_mosaic.version = 14 : i64} {
  func.func @_sqrt_kernel(%arg0: memref<1x784xf32, #tpu.memory_space<vmem>>, %arg1: memref<4x16xf32, #tpu.memory_space<vmem>>, %arg2: memref<1x784xf32, #tpu.memory_space<vmem>>, %arg3: memref<4x1xf32, #tpu.memory_space<vmem>>) attributes {dimension_semantics = [], scalar_prefetch = 0 : i64, scratch_operands = 0 : i64, tpu.core_type = #tpu.core_type<tc>} {
    %get3A = arith.constant 0 : index
    %get3A_0 = arith.constant 0 : index
    %get3A_1 = vector.load %arg0[%get3A, %get3A_0] : memref<1x784xf32, #tpu.memory_space<vmem>>, vector<1x784xf32>
    %sqrt3A = math.sqrt %get3A_1 : vector<1x784xf32>
    %swap3A = arith.constant 0 : index
    %swap3A_2 = arith.constant 0 : index
    %swap3A_3 = vector.load %arg2[%swap3A, %swap3A_2] : memref<1x784xf32, #tpu.memory_space<vmem>>, vector<1x784xf32>
    tpu.vector_store %arg2[%swap3A, %swap3A_2], %sqrt3A {strides = array<i32>} : memref<1x784xf32, #tpu.memory_space<vmem>>, vector<1x784xf32>,
    %get3A_4 = arith.constant 0 : index
    %get3A_5 = arith.constant 0 : index
    %get3A_6 = vector.load %arg1[%get3A_4, %get3A_5] : memref<4x16xf32, #tpu.memory_space<vmem>>, vector<4x16xf32>
    %reduce_max3A = arith.constant dense<0xFF800000> : vector<4xf32>
    %reduce_max3A_7 = vector.multi_reduction <maximumf>, %get3A_6, %reduce_max3A [1] : vector<4x16xf32> to vector<4xf32>
    %broadcast_in_dim3A = vector.shape_cast %reduce_max3A_7 : vector<4xf32> to vector<4x1xf32>
    %sqrt3A_8 = math.sqrt %broadcast_in_dim3A : vector<4x1xf32>
    %swap3A_9 = arith.constant 0 : index
    %swap3A_10 = arith.constant 0 : index
    %swap3A_11 = vector.load %arg3[%swap3A_9, %swap3A_10] : memref<4x1xf32, #tpu.memory_space<vmem>>, vector<4x1xf32>
    tpu.vector_store %arg3[%swap3A_9, %swap3A_10], %sqrt3A_8 {strides = array<i32>} : memref<4x1xf32, #tpu.memory_space<vmem>>, vector<4x1xf32>,
    return
  }
}

</mosaic_0001>

<sc_bundles>
// kernel: _run.5.cloned.1.call-start
scs
__scs_entry_jumppad:
0x0: {  	(pc) =	sbr.rel $0x88, $3  }
0x1: {  	(tag) =	ssettag $0x0;
	lr =	simm.s32 $0x1  }
0x2: {  	[smem:$0x3F9F] =	sst lr;
	_ =	strace $0xD0000000  }
0x3: {  	_ = 	snop  }
0x4: {  	_ = 	snop  }
0x5: {  	_ = 	snop  }
0x6: {  	_ = 	snop  }
0x7: {  	_ = 	snop  }
__scs_overlays_trampoline_lowered:
0x8: {  	[smem:$0x3FAE] =	sst s0  }
0x9: {  	[smem:$0x3FAF] =	sst s1  }
0xa: {  	[smem:$0x3FB0] =	sst s2  }
0xb: {  	[smem:$0x3FB1] =	sst s3  }
0xc: {  	[smem:$0x3FB2] =	sst s4  }
0xd: {  	[smem:$0x3FB3] =	sst s5  }
0xe: {  	[smem:$0x3FB4] =	sst s6  }
0xf: {  	[smem:$0x3FB5] =	sst s7  }
0x10: {  	[smem:$0x3FB6] =	sst s8  }
0x11: {  	[smem:$0x3FB7] =	sst s9;
	s0 =	simm.s32 @!p0 $0x0  }
0x12: {  	s1 =	sld [smem:$0x3F9D];
	s0 =	simm.s32 @p0 $0x1  }
0x13: {  	[smem:$0x3FB8] =	sst s0;
	s0 =	simm.s32 @!p1 $0x0  }
0x14: {  	s2 =	sld [smem:$0x3F9C];
	s0 =	simm.s32 @p1 $0x1  }
0x15: {  	[smem:$0x3FB9] =	sst s0;
	s0 =	simm.s32 @!p2 $0x0  }
0x16: {  	s3 =	sld [smem:$0x3FDB];
	s0 =	simm.s32 @p2 $0x1  }
0x17: {  	s4 =	simm.s32 $0x1BF5;
	[smem:$0x3FBB] =	sst s0  }
0x18: {  	s0 =	sld [smem:$0x3F9E];
	_ =	swait.ge [sflag:s4], $0x0  }
0x19: {  	s7 =	sld [smem:$0x3F9F]  }
0x1a: {  	s8 =	sadd.s32 $0xFFFFE003, lr  }
0x1b: {  	s9 =	sadd.s32 $0xFFFFFEF7, lr;
	s5 =	simm.s32 $0xFFFFFFFF;
	p2 =	slt.u32 s8, $0xFFFFF086  }
0x1c: {  	p1 =	slt.u32 s9, $0xF7A;
	s5 =	simm.s32 @!p2 $0x0  }
0x1d: {  	s5 =	simm.s32 @p1 $0x1;
	p0 =	seq.s32 s7, s2  }
0x1e: {  	s7 =	smul.u32 @!p0 $0xF7A, s2;
	p2 =	seq.s32 @!p0 s5, $0x0  }
0x1f: {  	s9 =	smul.u32 $0xF7A, s1;
	s8 =	simm.s32 @!p0 $0x1BF5;
	p2 =	por !p2, p0  }
0x20: {  	[sflag:s8] =	ssyncset.s32 @!p0 $0xFFFFF086;
	s6 =	sadd.s32 @!p0 s3, s7;
	s7 =	simm.s32 @!p0 $0x108  }
0x21: {  	s3 =	sadd.s32 s3, s9;
	s6 =	sadd.s32 @!p0 $0x88, s6;
	s7 =	simm.s32 @p2 $0x1082  }
0x22: {  	[simem:s7], [sflag:s8] =	dma.local @!p0 [hbm:s6], $0xF7A  }
0x23: {  	s9 =	sor.u32 $0xD0000000, s2;
	s6 =	simm.s32 $0x108;
	_ =	swait.ge @!p0 [sflag:s8], $0x0  }
0x24: {  	s3 =	sadd.s32 $0x88, s3;
	s6 =	simm.s32 @!p1 $0x1082;
	[sflag:s4] =	ssyncset.s32 $0xFFFFF086  }
0x25: {  	[simem:s6], [sflag:s4] =	dma.local [hbm:s3], $0xF7A  }
0x26: {  	[smem:$0x3F9F] =	sst s1;
	(tag) =	ssettag s2;
	_ =	strace s9  }
0x27: {  	s1 =	sld [smem:$0x3FAF]  }
0x28: {  	s2 =	sld [smem:$0x3FB0]  }
0x29: {  	s4 =	sld [smem:$0x3FB2]  }
0x2a: {  	p0 =	seq.s32 s5, $0x0;
	s5 =	sld [smem:$0x3FB3]  }
0x2b: {  	s6 =	sld [smem:$0x3FB4]  }
0x2c: {  	s7 =	sld [smem:$0x3FB5]  }
0x2d: {  	s3 =	simm.s32 $0x108;
	s8 =	sld [smem:$0x3FB6]  }
0x2e: {  	s3 =	simm.s32 @!p0 $0x1082;
	s9 =	sld [smem:$0x3FB7]  }
0x2f: {  	lr =	sadd.s32 s0, s3;
	s0 =	sld [smem:$0x3FAE]  }
0x30: {  	s3 =	sld [smem:$0x3FB1]  }
0x31: {  	[smem:$0x3FBA] =	sst s10  }
0x32: {  	s10 =	sld [smem:$0x3FB8];
	_ =	sdelay $0x3  }
0x33: {  	p0 =	seq.s32 s10, $0x1;
	s10 =	sld [smem:$0x3FBA];
	_ =	sdelay $0x3  }
0x34: {  	[smem:$0x3FBA] =	sst s10  }
0x35: {  	s10 =	sld [smem:$0x3FB9];
	_ =	sdelay $0x3  }
0x36: {  	p1 =	seq.s32 s10, $0x1;
	s10 =	sld [smem:$0x3FBA];
	_ =	sdelay $0x3  }
0x37: {  	[smem:$0x3FBA] =	sst s10  }
0x38: {  	s10 =	sld [smem:$0x3FBB]  }
0x39: {  	_ = 	snop;
	(pc) =	sbr.ind lr, $3  }
0x3a: {  	_ = 	snop  }
0x3b: {  	_ = 	snop  }
0x3c: {  	p2 =	seq.s32 s10, $0x1;
	s10 =	sld [smem:$0x3FBA]  }
0x3d: {  	_ =	shalt  }
0x3e: {  	_ =	shalt  }
0x3f: {  	_ =	shalt  }
0x40: {  	_ =	shalt  }
0x41: {  	_ =	shalt  }
0x42: {  	_ =	shalt  }
0x43: {  	_ =	shalt  }
0x44: {  	_ =	shalt  }
0x45: {  	_ =	shalt  }
0x46: {  	_ =	shalt  }
0x47: {  	_ =	shalt  }
0x48: {  	_ =	shalt  }
0x49: {  	_ =	shalt  }
0x4a: {  	_ =	shalt  }
0x4b: {  	_ =	shalt  }
0x4c: {  	_ =	shalt  }
0x4d: {  	_ =	shalt  }
0x4e: {  	_ =	shalt  }
0x4f: {  	_ =	shalt  }
0x50: {  	_ =	shalt  }
0x51: {  	_ =	shalt  }
0x52: {  	_ =	shalt  }
0x53: {  	_ =	shalt  }
0x54: {  	_ =	shalt  }
0x55: {  	_ =	shalt  }
0x56: {  	_ =	shalt  }
0x57: {  	_ =	shalt  }
0x58: {  	_ =	shalt  }
0x59: {  	_ =	shalt  }
0x5a: {  	_ =	shalt  }
0x5b: {  	_ =	shalt  }
0x5c: {  	_ =	shalt  }
0x5d: {  	_ =	shalt  }
0x5e: {  	_ =	shalt  }
0x5f: {  	_ =	shalt  }
0x60: {  	_ =	shalt  }
0x61: {  	_ =	shalt  }
0x62: {  	_ =	shalt  }
0x63: {  	_ =	shalt  }
0x64: {  	_ =	shalt  }
0x65: {  	_ =	shalt  }
0x66: {  	_ =	shalt  }
0x67: {  	_ =	shalt  }
0x68: {  	_ =	shalt  }
0x69: {  	_ =	shalt  }
0x6a: {  	_ =	shalt  }
0x6b: {  	_ =	shalt  }
0x6c: {  	_ =	shalt  }
0x6d: {  	_ =	shalt  }
0x6e: {  	_ =	shalt  }
0x6f: {  	_ =	shalt  }
0x70: {  	_ =	shalt  }
0x71: {  	_ =	shalt  }
0x72: {  	_ =	shalt  }
0x73: {  	_ =	shalt  }
0x74: {  	_ =	shalt  }
0x75: {  	_ =	shalt  }
0x76: {  	_ =	shalt  }
0x77: {  	_ =	shalt  }
0x78: {  	_ =	shalt  }
0x79: {  	_ =	shalt  }
0x7a: {  	_ =	shalt  }
0x7b: {  	_ =	shalt  }
0x7c: {  	_ =	shalt  }
0x7d: {  	_ =	shalt  }
0x7e: {  	_ =	shalt  }
0x7f: {  	_ =	shalt  }
0x80: {  	_ =	shalt  }
0x81: {  	_ =	shalt  }
0x82: {  	_ =	shalt  }
0x83: {  	_ =	shalt  }
0x84: {  	_ =	shalt  }
0x85: {  	_ =	shalt  }
0x86: {  	_ =	shalt  }
0x87: {  	_ =	shalt  }
.Lfunc_end0:
.L_simem_size_0:
called_computation_lowered:
.L_overlay_start_0:
0x88: {  	s2 =	sld [smem:$0x3FD9]  }
0x89: {  	s3 =	sld [smem:$0x3FFE];
	_ =	sdelay $0x1  }
0x8a: {  	s1 =	srdreg.scid  }
0x8b: {  	s0 =	sand.u32 $0x1, s1  }
0x8c: {  	s14 =	sshll.u32 s0, $0xA;
	s2 =	sadd.s32 s3, s2  }
0x8d: {  	s2 =	sadd.s32 s2, s14  }
0x8e: {  	[smem:$0x3FC6] =	sst s2  }
0x8f: {  	_ = 	snop  }
0x90: {  	s2 =	sld [smem:$0x3FD0];
	_ =	sdelay $0x2  }
0x91: {  	s15 =	simm.s32 $0xA;
	s4 =	simm.s32 $0x10  }
0x92: {  	[smem:s4], [sflag:s15] =	dma.local [hbm:s2], $0x1  }
0x93: {  	_ =	swait.eq [sflag:s15], $0x1  }
0x94: {  	s16 =	sld [smem:$0x10];
	[sflag:s15] =	ssyncset.done $0x0  }
0x95: {  	s17 =	sld [smem:$0x11];
	[sflag:s15] =	ssyncadd.s32 $0xFFFFFFFF  }
0x96: {  	s18 =	sld [smem:$0x12];
	(tm) =	ssettm $0x1  }
0x97: {  	s5 =	sld [smem:$0x3FFB];
	_ =	sdelay $0x3  }
0x98: {  	_ =	strace s5  }
0x99: {  	s5 =	sld [smem:$0x3FFC];
	_ =	sdelay $0x3  }
0x9a: {  	_ =	strace s5  }
0x9b: {  	s5 =	sld [smem:$0x3FFD];
	_ =	sdelay $0x3  }
0x9c: {  	_ =	strace s5  }
0x9d: {  	_ =	strace $0x8FFFFFFF  }
0x9e: {  	s19 =	sld [smem:$0x3FDB];
	_ =	sdelay $0x1  }
0x9f: {  	s6 =	simm.s32 $_scs_section_size  }
0xa0: {  	s7 =	simm.s32 $_size__tile_overlayer_lowered;
	s8 =	simm.s32 $_tile_overlayer_lowered  }
0xa1: {  	s22 =	simm.s32 $0x1BFF;
	s21 =	sshll.u32 s8, $0x1;
	s5 =	sadd.s32 s6, s19  }
0xa2: {  	s9 =	simm.s32 $0x0;
	s20 =	sshll.u32 s7, $0x1;
	s7 =	sadd.s32 s21, s5  }
0xa3: {  	[timem:s9], [sflag:s22] =	dma.local [hbm:s7], s20  }
0xa4: {  	_ =	swait.ge [sflag:s22], s20  }
0xa5: {  	s6 =	ssub.s32 $0x0, s20;
	[sflag:s22] =	ssyncset.done $0x0  }
0xa6: {  	[sflag:s22] =	ssyncadd.s32 s6;
	_ =	sdelay $0x1  }
0xa7: {  	s23 =	simm.s32 $0x1B8B  }
0xa8: {  	_ =	swait.ge [sflag:s23], $0x1  }
0xa9: {  	[sflag:s23] =	ssyncset.done $0x0  }
0xaa: {  	s25 =	simm.s32 $0x1B8E;
	s24 =	sld [smem:$0x3FFE];
	[sflag:s23] =	ssyncadd.s32 $0xFFFFFFFF  }
0xab: {  	s26 =	simm.s32 $execute0_lowered;
	[smem:$0x3FD2] =	sst s25  }
0xac: {  	s7 =	sshll.u32 s26, $0x1;
	_ =	strace $0x80000046;
	[dreg:$0x1] =	wrdreg $0xFFFFFFFF  }
0xad: {  	s28 =	simm.s32 $_size_execute0_lowered;
	s5 =	sadd.s32 s5, s7;
	[dreg:$0x0] =	wrdreg $0x0  }
0xae: {  	s7 =	sshll.u32 s28, $0x1;
	[dreg:$0x2] =	wrdreg s5  }
0xaf: {  	[dreg:$0x3] =	wrdreg s7  }
0xb0: {  	[dreg:$0x4] =	wrdreg $0xC0  }
0xb1: {  	_ =	task [dreg:s9], $0x5FFFF  }
0xb2: {  	[dreg:$0x1] =	wrdreg $0xFFFFFFFF  }
0xb3: {  	[dreg:$0x0] =	wrdreg $0x60  }
0xb4: {  	[dreg:$0x2] =	wrdreg s24  }
0xb5: {  	[dreg:$0x3] =	wrdreg s16  }
0xb6: {  	[dreg:$0x4] =	wrdreg s17  }
0xb7: {  	[dreg:$0x5] =	wrdreg s18  }
0xb8: {  	[dreg:$0x6] =	wrdreg $0x9  }
0xb9: {  	_ =	task.clear_ibuf [dreg:s9], $0x7FFFF;
	_ =	strace $0x90000046  }
0xba: {  	s29 =	simm.s32 $0x9;
	_ =	strace $0x80000048  }
0xbb: {  	_ =	swait.ge [sflag:s29], $0x1  }
0xbc: {  	[sflag:s29] =	ssyncadd.s32 $0xFFFFFFFF  }
0xbd: {  	_ =	strace $0x90000048  }
0xbe: {  	_ =	sfence  }
0xbf: {  	s30 =	sld [smem:$0x0];
	_ =	sdelay $0x2  }
0xc0: {  	s31 =	sshll.u32 s1, $0xD;
	s1 =	sshrl.u32 s1, $0x2  }
0xc1: {  	s3 =	sand.u32 $0x4000, s31;
	s1 =	sadd.s32 s1, s30  }
0xc2: {  	s0 =	sor.u32 s3, s0;
	s1 =	sshll.u32 s1, $0x11  }
0xc3: {  	s0 =	sor.u32 s1, s0  }
0xc4: {  	s0 =	sadd.s32 $0x8F2B, s0  }
0xc5: {  	[sflag:s0] =	ssyncadd.remote.s32 $0x1  }
0xc6: {  	_ =	sfence.sel $0xFFFF  }
0xc7: {  	[dreg:$0x0] =	wrdreg $0xFFFFFFFF;
	(pc) =	sbr.abs _section_cstart, $3  }
0xc8: {  	[dreg:$0x1] =	wrdreg $0xFFFFFFFF  }
0xc9: {  	_ =	task.clear_ibuf [dreg:s9], $0x2FFFF;
	_ =	strace $0x9FFFFFFF  }
0xca: {  	(tm) =	ssettm $0x7FFFFFFF  }
0xcb: {  	_ =	shalt  }
tec
execute0_lowered:
.L_overlay_start_1:
0x0: {  	(tag) =	ssettag $0x1  }
0x1: {  	s1 =	srdreg.scid  }
0x2: {  	s6 =	sand.u32 $0x1, s1;
	s1 =	stileid.u32  }
0x3: {  	s7 =	sshll.u32 s1, $0x1;
	s8 =	ssub.s32 $0x0, s6  }
0x4: {  	p0 =	sne.s32 s7, s8  }
.Ltmp0:
0x5: {  	s0 =	rddreg [dreg:$0x0];
	(pc) =	sbr.rel @p0 .LBB2_5-.Ltmp0, $4  }
0x6: {  	s2 =	rddreg [dreg:$0x1]  }
0x7: {  	s4 =	rddreg [dreg:$0x2]  }
0x8: {  	s5 =	rddreg [dreg:$0x3]  }
0x9: {  	s3 =	rddreg [dreg:$0x4];
	_ =	strace $0x80000047  }
0xa: {  	s8 =	ssub.s32 $0x2, s6;
	s6 =	sadd.s32 $0x800, s0  }
0xb: {  	s7 =	sadd.s32 $0x1000, s0;
	s10 =	simm.s32 $0x1;
	s11 =	simm.s32 $0x3D80  }
0xc: {  	s12 =	simm.s32 $0x7B00;
	s13 =	simm.s32 $0x7E80;
	s9 =	sshrl.u32 s8, $0x1  }
0xd: {  	s14 =	simm.s32 $0x8200;
	s15 =	simm.s32 $0x8580;
	s8 =	ssub.s32 s8, s9  }
0xe: {  	v0 =	vimm.f32 $-3.000000010e+38;
	vm0 =	vmmov $0xf;
	s16 =	simm.s32 $0x0;
	s9 =	simm.s32 $0x0;
	s8 =	smax.u32 s8, $0x1  }
.LBB2_2:
0xf: {  	[tilespmem:s9], [sflag:$0x1] =	stream.linear.gather [hbm4b:s0+s9], $0x3D80, $0x38;
	[tilespmem:$0x8600] =	vst v63  }
0x10: {  	_ =	swait.ge [sflag:s10], $0x3D80  }
0x11: {  	[sflag:s10] =	ssyncset.done $0x0  }
0x12: {  	[sflag:s10] =	ssyncadd.s32 $0xFFFFC280  }
0x13: {  	[tilespmem:s11], [sflag:$0x1] =	stream.linear.gather [hbm4b:s6+s9], $0x3D80, $0x38;
	[tilespmem:$0x8600] =	vst v63  }
0x14: {  	_ =	swait.ge [sflag:s10], $0x3D80  }
0x15: {  	[sflag:s10] =	ssyncset.done $0x0  }
0x16: {  	[sflag:s10] =	ssyncadd.s32 $0xFFFFC280  }
0x17: {  	[tilespmem:s12], [sflag:$0x1] =	stream.linear.gather [hbm4b:s2+s9], $0x380, $0x38;
	[tilespmem:$0x8600] =	vst v63  }
0x18: {  	_ =	swait.ge [sflag:s10], $0x380  }
0x19: {  	[sflag:s10] =	ssyncset.done $0x0  }
0x1a: {  	s17 =	simm.s32 $0x0;
	[sflag:s10] =	ssyncadd.s32 $0xFFFFFC80  }
0x1b: {  	v1 =	vld [tilespmem:s17+$0xC40]  }
0x1c: {  	v2 =	vld [tilespmem:s17+$0x930]  }
0x1d: {  	v3 =	vld [tilespmem:s17+$0x620]  }
0x1e: {  	v4 =	vld [tilespmem:s17+$0x310]  }
0x1f: {  	v5 =	vld [tilespmem:s17+$0x0]  }
0x20: {  	v6 =	vld [tilespmem:s17+$0xF50]  }
0x21: {  	v7 =	vld [tilespmem:s17+$0x1260]  }
0x22: {  	v8 =	vld [tilespmem:s17+$0x1570]  }
0x23: {  	v9 =	vld [tilespmem:s17+$0x1B90]  }
0x24: {  	v10 =	vld [tilespmem:s17+$0x43A0];
	vm2 =	vlt.f32 v4, v5  }
0x25: {  	v11 =	vld [tilespmem:s17+$0x1EA0];
	v4 =	vsel vm2, v4, v5  }
0x26: {  	v12 =	vld [tilespmem:s17+$0x21B0];
	vm3 =	vlt.f32 v3, v4  }
0x27: {  	v13 =	vld [tilespmem:s17+$0x4CD0];
	v3 =	vsel vm3, v3, v4  }
0x28: {  	v14 =	vld [tilespmem:s17+$0x4FE0];
	vm4 =	vlt.f32 v2, v3  }
0x29: {  	v15 =	vld [tilespmem:s17+$0x3D80];
	v2 =	vsel vm4, v2, v3  }
0x2a: {  	v16 =	vld [tilespmem:s17+$0x4090];
	vm5 =	vlt.f32 v1, v2  }
0x2b: {  	v17 =	vld [tilespmem:s17+$0x46B0];
	v1 =	vsel vm5, v1, v2  }
0x2c: {  	s18 =	sand.u32 $0x3F0, s9;
	v18 =	vld [tilespmem:s17+$0x49C0];
	vm6 =	vlt.f32 v6, v1  }
0x2d: {  	v4 =	vld [tilespmem:s18+$0x1880];
	v1 =	vsel vm6, v6, v1  }
0x2e: {  	v19 =	vld [tilespmem:s17+$0x5C20];
	vm7 =	vlt.f32 v7, v1  }
0x2f: {  	v20 =	vld [tilespmem:s17+$0x2DF0];
	v1 =	vsel vm7, v7, v1  }
0x30: {  	v15 =	vsel vm2, v16, v15;
	v16 =	vld [tilespmem:s18+$0x5600];
	vm8 =	vlt.f32 v8, v1  }
0x31: {  	v10 =	vsel vm3, v10, v15;
	v15 =	vld [tilespmem:s17+$0x52F0];
	v5 =	vsel vm8, v8, v1  }
0x32: {  	v3 =	vld [tilespmem:s17+$0x3720];
	vm9 =	vlt.f32 v4, v5  }
0x33: {  	v10 =	vsel vm4, v17, v10;
	v17 =	vld [tilespmem:s17+$0x5910];
	v6 =	vsel vm9, v4, v5  }
0x34: {  	v2 =	vld [tilespmem:s18+$0x6E80];
	vm10 =	vlt.f32 v9, v6  }
0x35: {  	v8 =	vld [tilespmem:s17+$0x24C0];
	v9 =	vsel vm10, v9, v6  }
0x36: {  	v7 =	vld [tilespmem:s17+$0x3410];
	vm11 =	vlt.f32 v11, v9  }
0x37: {  	v9 =	vsel vm11, v11, v9;
	v11 =	vld [tilespmem:s17+$0x27D0]  }
0x38: {  	v1 =	vld [tilespmem:s17+$0x7B00];
	vm1 =	vlt.f32 v12, v9  }
0x39: {  	v9 =	vsel vm1, v12, v9;
	v12 =	vld [tilespmem:s17+$0x2AE0]  }
0x3a: {  	v4 =	vld [tilespmem:s17+$0x77B0];
	vm2 =	vlt.f32 v8, v9  }
0x3b: {  	v5 =	vld [tilespmem:s17+$0x3A30];
	v8 =	vsel vm2, v8, v9  }
0x3c: {  	v6 =	vld [tilespmem:s17+$0x74A0];
	v9 =	vsel vm5, v18, v10;
	vm3 =	vlt.f32 v11, v8  }
0x3d: {  	v9 =	vsel vm6, v13, v9;
	v11 =	vsel vm3, v11, v8;
	v8 =	vld [tilespmem:s18+$0x3100]  }
0x3e: {  	v10 =	vsel vm7, v14, v9;
	v9 =	vld [tilespmem:s17+$0x5F30];
	vm4 =	vlt.f32 v12, v11  }
0x3f: {  	v13 =	vsel vm8, v15, v10;
	v10 =	vld [tilespmem:s17+$0x6240];
	v14 =	vsel vm4, v12, v11  }
0x40: {  	v12 =	vsel vm9, v16, v13;
	v11 =	vld [tilespmem:s17+$0x6550];
	vm5 =	vlt.f32 v20, v14  }
0x41: {  	v13 =	vsel vm10, v17, v12;
	v12 =	vld [tilespmem:s17+$0x6860];
	v14 =	vsel vm5, v20, v14  }
0x42: {  	s19 =	simm.s32 $0x0;
	s18 =	simm.s32 $0x40;
	v15 =	vsel vm11, v19, v13;
	v13 =	vld [tilespmem:s17+$0x6B70];
	vm6 =	vlt.f32 v8, v14  }
.LBB2_3:
0x43: {  	s21 =	sshra.s32 s18, $0x2;
	p0 =	sne.s32 s18, $0xC00;
	s18 =	sadd.s32 $0x40, s18;
	v9 =	vsel vm1, v9, v15;
	v15 =	vld [tilespmem:s17+$0x7190]  }
0x44: {  	v16 =	vld [tilespmem:s21+$0xC40];
	v9 =	vsel vm2, v10, v9  }
0x45: {  	v8 =	vsel vm6, v8, v14;
	v10 =	vld [tilespmem:s21+$0x930];
	v9 =	vsel vm3, v11, v9  }
0x46: {  	vm1 =	vlt.f32 v7, v8;
	v11 =	vld [tilespmem:s21+$0x620];
	v9 =	vsel vm4, v12, v9  }
0x47: {  	v7 =	vsel vm1, v7, v8;
	v12 =	vld [tilespmem:s21+$0x310];
	v9 =	vsel vm5, v13, v9  }
0x48: {  	vm2 =	vlt.f32 v3, v7;
	v8 =	vld [tilespmem:s21+$0x0];
	v2 =	vsel vm6, v2, v9  }
0x49: {  	v3 =	vsel vm2, v3, v7;
	v9 =	vld [tilespmem:s21+$0xF50];
	v2 =	vsel vm1, v15, v2  }
0x4a: {  	vm1 =	vlt.f32 v5, v3;
	v7 =	vld [tilespmem:s21+$0x1260];
	v2 =	vsel vm2, v6, v2  }
0x4b: {  	s19 =	sadd.s32 $0x10, s19;
	v3 =	vsel vm1, v5, v3;
	v6 =	vld [tilespmem:s21+$0x1570];
	v2 =	vsel vm1, v4, v2  }
0x4c: {  	s20 =	sand.u32 $0x3F0, s19;
	v3 =	vadd.f32 v3, v3;
	v13 =	vld [tilespmem:s21+$0x1B90];
	[tilespmem:s17+$0x8200] =	vst v2  }
0x4d: {  	vm1 =	vlt.f32 v12, v8;
	v4 =	vld [tilespmem:s21+$0x43A0]  }
0x4e: {  	v1 =	vadd.f32 v3, v1;
	v2 =	vsel vm1, v12, v8;
	v8 =	vld [tilespmem:s21+$0x1EA0]  }
0x4f: {  	vm2 =	vlt.f32 v11, v2;
	v12 =	vld [tilespmem:s21+$0x21B0]  }
0x50: {  	v1 =	vmax.f32 v1, $9.999999960e-13;
	v2 =	vsel vm2, v11, v2;
	v5 =	vld [tilespmem:s21+$0x4CD0]  }
0x51: {  	vm3 =	vlt.f32 v10, v2;
	v11 =	vld [tilespmem:s21+$0x4FE0];
	[tilespmem:s17+$0x7E80] =	vst v1;
	s17 =	smov.u32 s21  }
0x52: {  	v1 =	vsel vm3, v10, v2;
	v10 =	vld [tilespmem:s20+$0x1880]  }
0x53: {  	v3 =	vld [tilespmem:s17+$0x3D80];
	vm4 =	vlt.f32 v16, v1  }
0x54: {  	v14 =	vld [tilespmem:s17+$0x4090];
	v1 =	vsel vm4, v16, v1  }
0x55: {  	v15 =	vld [tilespmem:s17+$0x46B0];
	vm7 =	vlt.f32 v9, v1  }
0x56: {  	v1 =	vsel vm7, v9, v1;
	v2 =	vld [tilespmem:s20+$0x6E80]  }
0x57: {  	v9 =	vld [tilespmem:s17+$0x49C0];
	vm8 =	vlt.f32 v7, v1  }
0x58: {  	v1 =	vsel vm8, v7, v1;
	v16 =	vld [tilespmem:s17+$0x5C20]  }
0x59: {  	v7 =	vsel vm1, v14, v3;
	vm5 =	vlt.f32 v6, v1;
	v3 =	vld [tilespmem:s17+$0x3720]  }
0x5a: {  	v4 =	vsel vm2, v4, v7;
	v6 =	vsel vm5, v6, v1;
	v1 =	vld [tilespmem:s17+$0x7B00]  }
0x5b: {  	v4 =	vsel vm3, v15, v4;
	vm6 =	vlt.f32 v10, v6;
	v14 =	vld [tilespmem:s17+$0x24C0]  }
0x5c: {  	v7 =	vsel vm4, v9, v4;
	v6 =	vsel vm6, v10, v6;
	v4 =	vld [tilespmem:s17+$0x77B0]  }
0x5d: {  	v7 =	vsel vm7, v5, v7;
	vm7 =	vlt.f32 v13, v6;
	v5 =	vld [tilespmem:s17+$0x3A30]  }
0x5e: {  	v10 =	vsel vm8, v11, v7;
	v9 =	vsel vm7, v13, v6;
	v6 =	vld [tilespmem:s17+$0x74A0]  }
0x5f: {  	vm8 =	vlt.f32 v8, v9;
	v7 =	vld [tilespmem:s17+$0x3410]  }
0x60: {  	v8 =	vsel vm8, v8, v9;
	v9 =	vld [tilespmem:s17+$0x27D0]  }
0x61: {  	vm1 =	vlt.f32 v12, v8;
	v13 =	vld [tilespmem:s17+$0x2DF0]  }
0x62: {  	v8 =	vsel vm1, v12, v8;
	v11 =	vld [tilespmem:s17+$0x2AE0]  }
0x63: {  	v12 =	vld [tilespmem:s17+$0x52F0];
	vm2 =	vlt.f32 v14, v8  }
0x64: {  	v15 =	vld [tilespmem:s20+$0x5600];
	v8 =	vsel vm2, v14, v8  }
0x65: {  	v14 =	vld [tilespmem:s17+$0x5910];
	vm3 =	vlt.f32 v9, v8  }
0x66: {  	v17 =	vsel vm3, v9, v8;
	v8 =	vld [tilespmem:s20+$0x3100]  }
.Ltmp1:
0x67: {  	v9 =	vld [tilespmem:s17+$0x5F30];
	vm4 =	vlt.f32 v11, v17;
	(pc) =	sbr.rel @p0 .LBB2_3-.Ltmp1, $4  }
0x68: {  	v12 =	vsel vm5, v12, v10;
	v10 =	vld [tilespmem:s17+$0x6240];
	v17 =	vsel vm4, v11, v17  }
0x69: {  	v12 =	vsel vm6, v15, v12;
	v11 =	vld [tilespmem:s17+$0x6550];
	vm5 =	vlt.f32 v13, v17  }
0x6a: {  	v15 =	vsel vm7, v14, v12;
	v12 =	vld [tilespmem:s17+$0x6860];
	v14 =	vsel vm5, v13, v17  }
0x6b: {  	v15 =	vsel vm8, v16, v15;
	v13 =	vld [tilespmem:s17+$0x6B70];
	vm6 =	vlt.f32 v8, v14  }
0x6c: {  	v8 =	vsel vm6, v8, v14  }
0x6d: {  	vm7 =	vlt.f32 v7, v8  }
0x6e: {  	v9 =	vsel vm1, v9, v15;
	v7 =	vsel vm7, v7, v8  }
0x6f: {  	v56 =	vld [tilespmem:s17+$0x7190];
	v9 =	vsel vm2, v10, v9;
	vm1 =	vlt.f32 v3, v7  }
0x70: {  	v9 =	vsel vm3, v11, v9;
	v3 =	vsel vm1, v3, v7  }
0x71: {  	v57 =	vsel vm4, v12, v9;
	vm2 =	vlt.f32 v5, v3  }
0x72: {  	v7 =	vsel vm5, v13, v57;
	v3 =	vsel vm2, v5, v3  }
0x73: {  	v2 =	vsel vm6, v2, v7;
	v3 =	vadd.f32 v3, v3  }
0x74: {  	v2 =	vsel vm7, v56, v2  }
0x75: {  	v2 =	vsel vm1, v6, v2;
	v1 =	vadd.f32 v3, v1  }
0x76: {  	v2 =	vsel vm2, v4, v2  }
0x77: {  	[tilespmem:s17+$0x8200] =	vst v2;
	v1 =	vmax.f32 v1, $9.999999960e-13  }
0x78: {  	[tilespmem:s17+$0x7E80] =	vst v1  }
0x79: {  	v1 =	vld [tilespmem:$0x7E80]  }
0x7a: {  	v2 =	vld [tilespmem:$0x7E90]  }
0x7b: {  	v3 =	vld [tilespmem:$0x7EA0]  }
0x7c: {  	v58 =	vld [tilespmem:$0x7EB0]  }
0x7d: {  	v59 =	vld [tilespmem:$0x7EC0]  }
0x7e: {  	v60 =	vld [tilespmem:$0x7ED0]  }
0x7f: {  	v61 =	vld [tilespmem:$0x7EE0]  }
0x80: {  	v62 =	vld [tilespmem:$0x7EF0]  }
0x81: {  	v63 =	vld [tilespmem:$0x7F00]  }
0x82: {  	v36 =	vld [tilespmem:$0x7F10]  }
0x83: {  	v37 =	vld [tilespmem:$0x7F20]  }
0x84: {  	v38 =	vld [tilespmem:$0x7F30]  }
0x85: {  	v39 =	vld [tilespmem:$0x7F40]  }
0x86: {  	v40 =	vld [tilespmem:$0x7F44]  }
0x87: {  	v41 =	vld [tilespmem:$0x7F54]  }
0x88: {  	v16 =	vld [tilespmem:$0x7F64]  }
0x89: {  	v17 =	vld [tilespmem:$0x7F74]  }
0x8a: {  	v18 =	vld [tilespmem:$0x7F84]  }
0x8b: {  	v19 =	vld [tilespmem:$0x7F94]  }
0x8c: {  	v20 =	vld [tilespmem:$0x7FA4]  }
0x8d: {  	v21 =	vld [tilespmem:$0x7FB4]  }
0x8e: {  	v22 =	vld [tilespmem:$0x7FC4]  }
0x8f: {  	v23 =	vld [tilespmem:$0x7FD4]  }
0x90: {  	v24 =	vld [tilespmem:$0x7FE4]  }
0x91: {  	v25 =	vld [tilespmem:$0x7FF4]  }
0x92: {  	v26 =	vld [tilespmem:$0x8004]  }
0x93: {  	v27 =	vld [tilespmem:$0x8008]  }
0x94: {  	v28 =	vld [tilespmem:$0x8018]  }
0x95: {  	v29 =	vld [tilespmem:$0x8028]  }
0x96: {  	v30 =	vld [tilespmem:$0x8038]  }
0x97: {  	v31 =	vld [tilespmem:$0x8048]  }
0x98: {  	v32 =	vld [tilespmem:$0x8058]  }
0x99: {  	v33 =	vld [tilespmem:$0x8068]  }
0x9a: {  	v42 =	vld [tilespmem:$0x8098]  }
0x9b: {  	v43 =	vld [tilespmem:$0x80A8]  }
0x9c: {  	v46 =	vld [tilespmem:$0x80CC]  }
0x9d: {  	v47 =	vld [tilespmem:$0x80DC]  }
0x9e: {  	v49 =	vld [tilespmem:$0x80EC]  }
0x9f: {  	v44 =	vld [tilespmem:$0x80B8];
	v1 =	vmax.f32 v1, $-3.000000010e+38  }
0xa0: {  	v50 =	vld [tilespmem:$0x80FC];
	v48 =	vmax.f32 v40, $-3.000000010e+38;
	v51 =	vnsel vm0, $0xFF61B1E6, v39;
	v53 =	vmax.f32 v27, $-3.000000010e+38  }
0xa1: {  	v52 =	vld [tilespmem:$0x810C];
	v8 =	vmax.f32 v46, $-3.000000010e+38;
	v1 =	vmax.f32 v1, v2;
	v10 =	vmax.f32 v48, v41  }
0xa2: {  	v54 =	vld [tilespmem:$0x811C];
	v12 =	vmax.f32 v53, v28;
	v8 =	vmax.f32 v8, v47;
	v1 =	vmax.f32 v1, v3  }
0xa3: {  	v55 =	vld [tilespmem:$0x812C];
	v10 =	vmax.f32 v10, v16;
	v12 =	vmax.f32 v12, v29;
	v8 =	vmax.f32 v8, v49  }
0xa4: {  	v56 =	vld [tilespmem:$0x813C];
	v1 =	vmax.f32 v1, v58;
	v10 =	vmax.f32 v10, v17;
	v12 =	vmax.f32 v12, v30  }
0xa5: {  	v2 =	vld [tilespmem:$0x8078];
	v8 =	vmax.f32 v8, v50;
	v1 =	vmax.f32 v1, v59;
	v10 =	vmax.f32 v10, v18  }
0xa6: {  	v3 =	vld [tilespmem:$0x8088];
	v12 =	vmax.f32 v12, v31;
	v8 =	vmax.f32 v8, v52;
	v1 =	vmax.f32 v1, v60  }
0xa7: {  	v45 =	vld [tilespmem:$0x80C8];
	v10 =	vmax.f32 v10, v19;
	v12 =	vmax.f32 v12, v32;
	v8 =	vmax.f32 v8, v54  }
0xa8: {  	v57 =	vld [tilespmem:$0x814C];
	v1 =	vmax.f32 v1, v61;
	v10 =	vmax.f32 v10, v20;
	v12 =	vmax.f32 v12, v33  }
0xa9: {  	v58 =	vld [tilespmem:$0x815C];
	v8 =	vmax.f32 v8, v55;
	v1 =	vmax.f32 v1, v62;
	v10 =	vmax.f32 v10, v21  }
0xaa: {  	v59 =	vld [tilespmem:$0x816C];
	v2 =	vmax.f32 v12, v2;
	v62 =	vnsel vm0, $0xFF61B1E6, v26;
	v1 =	vmax.f32 v1, v63  }
0xab: {  	[tilespmem:$0x8190] =	vst v0;
	v60 =	vld [tilespmem:$0x817C];
	v10 =	vmax.f32 v10, v22;
	v2 =	vmax.f32 v2, v3;
	v3 =	vmax.f32 v8, v56  }
0xac: {  	v61 =	vld [tilespmem:$0x818C];
	v1 =	vmax.f32 v1, v36;
	v10 =	vmax.f32 v10, v23;
	v2 =	vmax.f32 v2, v42  }
0xad: {  	v3 =	vmax.f32 v3, v57;
	v1 =	vmax.f32 v1, v37;
	v10 =	vmax.f32 v10, v24  }
0xae: {  	v2 =	vmax.f32 v2, v43;
	v3 =	vmax.f32 v3, v58;
	v1 =	vmax.f32 v1, v38  }
0xaf: {  	v10 =	vmax.f32 v10, v25;
	v3 =	vmax.f32 v3, v59;
	v1 =	vmax.f32 v1, v51  }
0xb0: {  	v63 =	vmax.f32 v10, v62;
	[tilespmem:$0x8580] =	vst v1;
	v1 =	vmax.f32 v2, v44;
	v2 =	vnsel vm0, $0xFF61B1E6, v45  }
0xb1: {  	[tilespmem:$0x8590] =	vst v63;
	v1 =	vmax.f32 v1, v2;
	v2 =	vmax.f32 v3, v60;
	v3 =	vnsel vm0, $0xFF61B1E6, v61  }
0xb2: {  	[tilespmem:$0x85A0] =	vst v1;
	v1 =	vmax.f32 v2, v3  }
0xb3: {  	[tilespmem:$0x85B0] =	vst v1  }
0xb4: {  	[hbm4b:s7+s9] =	stream.linear.scatter [tilespmem:s13], [sflag:$0x1], $0x310, $0x38;
	[tilespmem:$0x8600] =	vst v63  }
0xb5: {  	_ =	swait.ge [sflag:s10], $0x310  }
0xb6: {  	[sflag:s10] =	ssyncset.done $0x0  }
0xb7: {  	[sflag:s10] =	ssyncadd.s32 $0xFFFFFCF0  }
0xb8: {  	[hbm4b:s4+s9] =	stream.linear.scatter [tilespmem:s14], [sflag:$0x1], $0x380, $0x38;
	[tilespmem:$0x8600] =	vst v63  }
0xb9: {  	s16 =	sadd.s32 $0x1, s16;
	_ =	swait.ge [sflag:s10], $0x380  }
0xba: {  	p0 =	sne.s32 s16, s8;
	[sflag:s10] =	ssyncset.done $0x0  }
.Ltmp2:
0xbb: {  	[sflag:s10] =	ssyncadd.s32 $0xFFFFFC80;
	(pc) =	sbr.rel @p0 .LBB2_2-.Ltmp2, $4  }
0xbc: {  	[hbm4b:s5+s9] =	stream.linear.scatter [tilespmem:s15], [sflag:$0x1], $0x80, $0x38;
	[tilespmem:$0x8600] =	vst v63  }
0xbd: {  	_ =	swait.ge [sflag:s10], $0x80  }
0xbe: {  	[sflag:s10] =	ssyncset.done $0x0  }
0xbf: {  	[sflag:s10] =	ssyncadd.s32 $0xFFFFFF80  }
.LBB2_5:
0xc0: {  	_ =	sfence.sel $0x180000  }
0xc1: {  	[bflag:$0x0] =	sbarrier.arrive $0xFFFF  }
0xc2: {  	p0 =	sne.s32 s1, $0x0;
	_ =	strace $0x90000047  }
0xc3: {  	s0 =	sadd.s32 @!p0 $0x100000, s3;
	[bflag:$0x2] =	sbarrier.arrive $0xFFFF  }
0xc4: {  	[sflag:s0] =	ssyncadd.tile.s32 @!p0 $0x1;
	_ =	shalt  }
.Lfunc_end2:
_tile_overlayer_lowered:
.L_overlay_start_2:
0xc5: {  	(tag) =	ssettag $0x2  }
0xc6: {  	s0 =	rddreg [dreg:$0x0];
	s2 =	stileid.u32  }
0xc7: {  	s1 =	rddreg [dreg:$0x1];
	p0 =	sne.s32 s2, $0x0  }
0xc8: {  	s3 =	rddreg [dreg:$0x2];
	[bflag:$0x3] =	sbarrier.arrive $0xFFFF;
	s2 =	simm.s32 @!p0 $0x1C01  }
0xc9: {  	[timem:s3], [sflag:s2] =	dma.local @!p0 [hbm:s0], s1  }
0xca: {  	s0 =	simm.s32 @!p0 $0x1  }
0xcb: {  	_ =	swait.ge @!p0 [sflag:s0], s1  }
0xcc: {  	s1 =	ssub.s32 @!p0 $0x0, s1;
	[sflag:s0] =	ssyncset.done @!p0 $0x0  }
0xcd: {  	[sflag:s0] =	ssyncadd.s32 @!p0 s1  }
0xce: {  	[bflag:$0x3] =	sbarrier.arrive $0xFFFF  }
0xcf: {  	_ =	shalt  }

</sc_bundles>
